<compile_context>
chip_gen: v7x
topology: tpu7x:2x2x1
jax: 0.10.2.dev20260603
libtpu: 0.0.44.dev20260713+nightly
codegen_flags: <defaults>
</compile_context>

<pallas_src>
import functools

import jax
import jax.numpy as jnp
from jax import lax
from jax.experimental import pallas as pl
from jax.experimental.pallas import tpu as pltpu
from jax.experimental.pallas import tpu_sc as plsc

_B, _N, _D, _K = 2, 4096, 128, 16
_TOT = _B * _N * _K

_RP = 512
_R2 = 256
_R4 = 256
_RK = _R4 * _K


def _k1_body(f_ref, xyz_ref, W1_ref, b1_ref, Wa_ref, bA_ref, Wpg_ref, bS_ref,
             Wpp_ref, bP_ref, Wd_ref, T_ref, P_ref, POS_ref):
    f = f_ref[0]
    out = jnp.dot(f, W1_ref[...], preferred_element_type=jnp.float32) + b1_ref[...]
    S = jnp.dot(out, Wpg_ref[...], preferred_element_type=jnp.float32) + bS_ref[...]
    A = jnp.dot(out, Wa_ref[...], preferred_element_type=jnp.float32) + bA_ref[...]
    pos = jnp.dot(xyz_ref[0], Wd_ref[...], preferred_element_type=jnp.float32)
    uS = (lax.bitcast_convert_type(S, jnp.int32) + jnp.int32(0x8000)) & jnp.int32(-0x10000)
    uA = lax.shift_right_logical(
        lax.bitcast_convert_type(A, jnp.int32) + jnp.int32(0x8000), 16) & jnp.int32(0xFFFF)
    uP = (lax.bitcast_convert_type(pos, jnp.int32) + jnp.int32(0x8000)) & jnp.int32(-0x10000)
    T_ref[0, :, 0:128] = lax.bitcast_convert_type(uS | uA, jnp.float32)
    T_ref[0, :, 128:256] = lax.bitcast_convert_type(uP, jnp.float32)
    P_ref[0] = jnp.dot(out, Wpp_ref[...], preferred_element_type=jnp.float32) + bP_ref[...]
    POS_ref[0] = pos


def _project(feat, xyzp16, W1, b1, Wa, bA, Wpg, bS, Wpp, bP, Wdp):
    wspec = pl.BlockSpec((128, 128), lambda b, i: (0, 0))
    bspec = pl.BlockSpec((1, 128), lambda b, i: (0, 0))
    return pl.pallas_call(
        _k1_body,
        grid=(_B, _N // _RP),
        in_specs=[
            pl.BlockSpec((1, _RP, _D), lambda b, i: (b, i, 0)),
            pl.BlockSpec((1, _RP, 16), lambda b, i: (b, i, 0)),
            wspec, bspec, wspec, bspec, wspec, bspec, wspec, bspec,
            pl.BlockSpec((16, 128), lambda b, i: (0, 0)),
        ],
        out_specs=[
            pl.BlockSpec((1, _RP, 256), lambda b, i: (b, i, 0)),
            pl.BlockSpec((1, _RP, _D), lambda b, i: (b, i, 0)),
            pl.BlockSpec((1, _RP, _D), lambda b, i: (b, i, 0)),
        ],
        out_shape=[
            jax.ShapeDtypeStruct((_B, _N, 256), jnp.float32),
            jax.ShapeDtypeStruct((_B, _N, _D), jnp.float32),
            jax.ShapeDtypeStruct((_B, _N, _D), jnp.float32),
        ],
    )(feat, xyzp16, W1, b1, Wa, bA, Wpg, bS, Wpp, bP, Wdp)


def _k2_body(xb_ref, xT_ref, idx_ref):
    b = pl.program_id(0)
    xb = xb_ref[0]
    xT = xT_ref[0]
    vals = jnp.dot(xb, xT, preferred_element_type=jnp.float32)
    col = lax.broadcasted_iota(jnp.int32, (_R2, _N), 1)
    keys = lax.bitcast_convert_type(
        (lax.bitcast_convert_type(vals, jnp.int32) & jnp.int32(~0xFFF)) | col,
        jnp.float32)
    inf = jnp.float32(3e38)
    mn = jnp.minimum(keys[:, 0:_N // 2], keys[:, _N // 2:_N])
    mx = jnp.maximum(keys[:, 0:_N // 2], keys[:, _N // 2:_N])
    idxs = []
    for _ in range(_K):
        m = jnp.min(mn, axis=1, keepdims=True)
        idxs.append(lax.bitcast_convert_type(m, jnp.int32) & jnp.int32(0xFFF))
        mask = mn <= m
        mn = jnp.where(mask, mx, mn)
        mx = jnp.where(mask, inf, mx)
    idx_ref[0] = jnp.concatenate(idxs, axis=1) + b * _N


def _topk(xb, xT):
    return pl.pallas_call(
        _k2_body,
        grid=(xb.shape[0], _N // _R2),
        in_specs=[
            pl.BlockSpec((1, _R2, 8), lambda b, i: (b, i, 0)),
            pl.BlockSpec((1, 8, _N), lambda b, i: (b, 0, 0)),
        ],
        out_specs=pl.BlockSpec((1, _R2, _K), lambda b, i: (b, i, 0)),
        out_shape=jax.ShapeDtypeStruct((xb.shape[0], _N, _K), jnp.int32),
    )(xb, xT)


_NC, _NS = 2, 16
_NW = _NC * _NS
_TOTB = _N * _K
_PERW = _TOTB // _NW
_CH = 128
_NCH = _PERW // _CH


def _gather_sc(T3, flat_idx):
    mesh = plsc.VectorSubcoreMesh(core_axis_name="c", subcore_axis_name="s")

    @functools.partial(
        pl.kernel, mesh=mesh,
        out_type=jax.ShapeDtypeStruct((_TOTB, 256), jnp.float32),
        scratch_types=[
            pltpu.VMEM((_CH,), jnp.int32),
            pltpu.VMEM((_CH,), jnp.int32),
            pltpu.VMEM((_CH, 256), jnp.float32),
            pltpu.VMEM((_CH, 256), jnp.float32),
            pltpu.SemaphoreType.DMA,
            pltpu.SemaphoreType.DMA,
        ],
    )
    def k3(T_hbm, idx_hbm, G_hbm, idx_a, idx_b, rows_a, rows_b, sem_a, sem_b):
        wid = lax.axis_index("s") * _NC + lax.axis_index("c")
        w0 = wid * _PERW

        def gather_a():
            return pltpu.make_async_copy(T_hbm.at[idx_a], rows_a, sem_a)

        def gather_b():
            return pltpu.make_async_copy(T_hbm.at[idx_b], rows_b, sem_b)

        pltpu.sync_copy(idx_hbm.at[pl.ds(w0, _CH)], idx_a)
        gather_a().start()

        def body(j, carry):
            c = 2 * j
            pltpu.sync_copy(idx_hbm.at[pl.ds(w0 + (c + 1) * _CH, _CH)], idx_b)
            gather_b().start()
            gather_a().wait()
            pltpu.sync_copy(rows_a, G_hbm.at[pl.ds(w0 + c * _CH, _CH)])

            @pl.when(j < _NCH // 2 - 1)
            def _prefetch_even():
                pltpu.sync_copy(idx_hbm.at[pl.ds(w0 + (c + 2) * _CH, _CH)], idx_a)
                gather_a().start()

            gather_b().wait()
            pltpu.sync_copy(rows_b, G_hbm.at[pl.ds(w0 + (c + 1) * _CH, _CH)])
            return carry

        lax.fori_loop(0, _NCH // 2, body, 0)

    return k3(T3, flat_idx)


def _k4_body(G_ref, pos_ref, P_ref, res_ref, bd_ref, Wg_ref, W2_ref, b2_ref,
             o_ref):
    w0 = lax.bitcast_convert_type(G_ref[:, 0:128], jnp.int32)
    S = lax.bitcast_convert_type(w0 & jnp.int32(-0x10000), jnp.float32)
    A = lax.bitcast_convert_type(lax.shift_left(w0, 16), jnp.float32)
    posn = G_ref[:, 128:256]
    posc = pos_ref[0]
    pcr = jnp.reshape(jnp.broadcast_to(posc[:, None, :], (_R4, _K, _D)), (_RK, _D))
    delta = jnp.maximum(pcr - posn + bd_ref[...], 0.0)
    dg = jnp.dot(delta, Wg_ref[...], preferred_element_type=jnp.float32)
    Pc = P_ref[0]
    Pr = jnp.reshape(jnp.broadcast_to(Pc[:, None, :], (_R4, _K, _D)), (_RK, _D))
    gamma = Pr - S + dg
    e = jnp.exp(gamma)
    rho = e / jnp.sum(e, axis=1, keepdims=True)
    contrib = rho * (A + delta)
    agg = jnp.sum(jnp.reshape(contrib, (_R4, _K, _D)), axis=1)
    o_ref[0] = (jnp.dot(agg, W2_ref[...], preferred_element_type=jnp.float32)
                + b2_ref[...] + res_ref[0])


def _attention(G, POS, P, feat, bd, Wg, W2, b2):
    nblk = _N // _R4
    wspec = pl.BlockSpec((128, 128), lambda b, i: (0, 0))
    bspec = pl.BlockSpec((1, 128), lambda b, i: (0, 0))
    return pl.pallas_call(
        _k4_body,
        grid=(POS.shape[0], nblk),
        in_specs=[
            pl.BlockSpec((_RK, 256), lambda b, i: (b * nblk + i, 0)),
            pl.BlockSpec((1, _R4, _D), lambda b, i: (b, i, 0)),
            pl.BlockSpec((1, _R4, _D), lambda b, i: (b, i, 0)),
            pl.BlockSpec((1, _R4, _D), lambda b, i: (b, i, 0)),
            bspec, wspec, wspec, bspec,
        ],
        out_specs=pl.BlockSpec((1, _R4, _D), lambda b, i: (b, i, 0)),
        out_shape=jax.ShapeDtypeStruct((POS.shape[0], _N, _D), jnp.float32),
    )(G, POS, P, feat, bd, Wg, W2, b2)


def kernel(points_xyz, points_features, W1, b1, Wg, bg, Wphi, bphi,
           Wpsi, bpsi, Wa, ba, Wd1, bd1, Wd2, bd2, W2, b2):
    Wpg = Wpsi @ Wg
    bS = (bpsi @ Wg).reshape(1, _D)
    Wpp = Wphi @ Wg
    bP = (bphi @ Wg + bg).reshape(1, _D)
    Wd = Wd1 @ Wd2
    bd = (bd1 @ Wd2 + bd2).reshape(1, _D)
    Wdp = jnp.zeros((16, _D), jnp.float32).at[0:3].set(Wd)

    xyzp = jnp.pad(points_xyz, ((0, 0), (0, 0), (0, 13)))
    sq = jnp.sum(points_xyz * points_xyz, axis=-1, keepdims=True)
    ones = jnp.ones_like(sq)
    zeros = jnp.zeros((_B, _N, 3), jnp.float32)
    xb_aug = jnp.concatenate([-2.0 * points_xyz, ones, 1.0 + sq, zeros], -1)
    xT = jnp.transpose(
        jnp.concatenate([points_xyz, sq, ones, zeros], -1), (0, 2, 1))

    T, P, POS = _project(points_features, xyzp, W1, b1.reshape(1, _D), Wa,
                         ba.reshape(1, _D), Wpg, bS, Wpp, bP, Wdp)
    outs = []
    for b in range(_B):
        idxb = _topk(xb_aug[b:b + 1], xT[b:b + 1])
        Gb = _gather_sc(T[b], idxb.reshape(_TOTB))
        outs.append(_attention(Gb, POS[b:b + 1], P[b:b + 1],
                               points_features[b:b + 1], bd, Wg, W2,
                               b2.reshape(1, _D)))
    out_final = jnp.concatenate(outs, axis=0)
    return (points_xyz, out_final)

# --- scband reference (transcript-rebuilt; emitter-appended) ---
"""Pipeline reference for scband-point-transformer-block-17841294147944 (READ-ONLY COPY).

The authoritative reference and input builder live on the scoring server;
editing this copy changes nothing except your own understanding.
"""

import jax, jax.numpy as jnp
import numpy as np

B, N, IN_DIM, OUT_DIM, K = 2, 4096, 128, 128, 16


def _linear_params(key, fan_in, fan_out):
    k1, k2 = jax.random.split(key)
    W = jax.random.normal(k1, (fan_in, fan_out), dtype=jnp.float32) * 0.05
    b = jax.random.normal(k2, (fan_out,), dtype=jnp.float32) * 0.05
    return W, b


def setup_inputs(seed: int = 0) -> dict:
    key = jax.random.key(seed)
    ks = jax.random.split(key, 12)
    points_xyz = jax.random.normal(ks[0], (B, N, 3), dtype=jnp.float32)
    points_features = jax.random.normal(ks[1], (B, N, IN_DIM), dtype=jnp.float32)
    W1, b1 = _linear_params(ks[2], IN_DIM, OUT_DIM)
    Wg, bg = _linear_params(ks[3], OUT_DIM, OUT_DIM)
    Wphi, bphi = _linear_params(ks[4], OUT_DIM, OUT_DIM)
    Wpsi, bpsi = _linear_params(ks[5], OUT_DIM, OUT_DIM)
    Wa, ba = _linear_params(ks[6], OUT_DIM, OUT_DIM)
    Wd1, bd1 = _linear_params(ks[7], 3, OUT_DIM)
    Wd2, bd2 = _linear_params(ks[8], OUT_DIM, OUT_DIM)
    W2, b2 = _linear_params(ks[9], OUT_DIM, IN_DIM)
    return {
        "points_xyz": points_xyz, "points_features": points_features,
        "W1": W1, "b1": b1, "Wg": Wg, "bg": bg,
        "Wphi": Wphi, "bphi": bphi, "Wpsi": Wpsi, "bpsi": bpsi,
        "Wa": Wa, "ba": ba, "Wd1": Wd1, "bd1": bd1,
        "Wd2": Wd2, "bd2": bd2, "W2": W2, "b2": b2,
    }


def index_points(points, idx):
    # points: [B, N, C]; idx: [B, S] or [B, S, K] -> [B, S, (K,) C]
    raw = idx.shape
    flat = idx.reshape(raw[0], -1)  # [B, S*K]
    res = jnp.take_along_axis(points, flat[..., None], axis=1)  # [B, S*K, C]
    return res.reshape(*raw, points.shape[-1])


def reference(points_xyz, points_features, W1, b1, Wg, bg, Wphi, bphi,
              Wpsi, bpsi, Wa, ba, Wd1, bd1, Wd2, bd2, W2, b2):
    residual = points_features
    # cdist via expansion-free formula
    sq = jnp.sum(points_xyz ** 2, axis=-1)  # [B, N]
    d2 = sq[:, :, None] + sq[:, None, :] - 2.0 * jnp.einsum('bnc,bmc->bnm', points_xyz, points_xyz)
    dist = jnp.sqrt(jnp.maximum(d2, 0.0))
    # k nearest (smallest distance)
    _, idx = jax.lax.top_k(-dist, K)  # [B, N, K]
    neighbours_xyz = index_points(points_xyz, idx)  # [B, N, K, 3]
    out = points_features @ W1 + b1  # [B, N, OUT_DIM]
    nbr_feat = index_points(out, idx)  # [B, N, K, OUT_DIM]
    # positional encoding delta
    diff = points_xyz[:, :, None, :] - neighbours_xyz  # [B, N, K, 3]
    delta = jax.nn.relu((diff @ Wd1 + bd1) @ Wd2 + bd2)  # [B, N, K, OUT_DIM]
    phi_out = (out @ Wphi + bphi)[:, :, None, :]  # [B, N, 1, OUT_DIM]
    psi_out = nbr_feat @ Wpsi + bpsi  # [B, N, K, OUT_DIM]
    beta = phi_out - psi_out + delta
    gamma_out = beta @ Wg + bg
    rho = jax.nn.softmax(gamma_out, axis=-1)  # softmax over channel dim (faithful to torch dim=-1)
    alpha_out = nbr_feat @ Wa + ba + delta
    agg = jnp.sum(rho * alpha_out, axis=2)  # [B, N, OUT_DIM]
    out_final = agg @ W2 + b2 + residual  # [B, N, IN_DIM]
    return (points_xyz, out_final)

if __name__ == "__main__":
    import jax
    _d = setup_inputs()
    print(jax.jit(kernel)(*tuple(_d.values())))

</pallas_src>

<mosaic_0001>
#map = affine_map<(d0, d1) -> (0, 0)>
#map1 = affine_map<(d0, d1) -> (0)>
module attributes {stable_mosaic.version = 14 : i64} {
  func.func @k3(%arg0: i32, %arg1: i32, %arg2: memref<4096x256xf32, #tpu.memory_space<hbm>>, %arg3: memref<65536xi32, #tpu.memory_space<hbm>>, %arg4: memref<65536x256xf32, #tpu.memory_space<hbm>>, %arg5: memref<128xi32, #tpu.memory_space<vmem>>, %arg6: memref<128xi32, #tpu.memory_space<vmem>>, %arg7: memref<128x256xf32, #tpu.memory_space<vmem>>, %arg8: memref<128x256xf32, #tpu.memory_space<vmem>>, %arg9: memref<!tpu.dma_semaphore, #tpu.memory_space<semaphore_mem>>, %arg10: memref<!tpu.dma_semaphore, #tpu.memory_space<semaphore_mem>>) attributes {dimension_semantics = [#tpu.dimension_semantics<core_parallel>, #tpu.dimension_semantics<subcore_parallel>], iteration_bounds = array<i64: 2, 16>, scalar_prefetch = 0 : i64, scratch_operands = 6 : i64, tpu.core_type = #tpu.core_type<sc_vector_subcore>, window_params = [{transform_indices = #map}, {transform_indices = #map1}, {transform_indices = #map}]} {
    %mul3A = arith.constant 2 : i32
    %mul3A_0 = arith.muli %arg1, %mul3A : i32
    %add3A = arith.addi %mul3A_0, %arg0 : i32
    %mul3A_1 = arith.constant 2048 : i32
    %mul3A_2 = arith.muli %add3A, %mul3A_1 : i32
    "tpu.region"() ({
      %run_scoped3A = tpu.sem_alloc : memref<!tpu.dma_semaphore, #tpu.memory_space<semaphore_mem>>
      %dma_start3A_10 = tpu.memref_slice %arg3[%mul3A_2] : memref<65536xi32, #tpu.memory_space<hbm>> -> memref<128xi32, #tpu.memory_space<hbm>>
      %dma_start3A_11 = tpu.memref_slice %arg3[%mul3A_2] : memref<65536xi32, #tpu.memory_space<hbm>> -> memref<128xi32, #tpu.memory_space<hbm>>
      tpu.enqueue_dma source(%dma_start3A_11 : memref<128xi32, #tpu.memory_space<hbm>>) target(%arg5 : memref<128xi32, #tpu.memory_space<vmem>>) target_semaphore(%run_scoped3A : memref<!tpu.dma_semaphore, #tpu.memory_space<semaphore_mem>>)
      %dma_wait3A = tpu.memref_slice %arg3[%mul3A_2] : memref<65536xi32, #tpu.memory_space<hbm>> -> memref<128xi32, #tpu.memory_space<hbm>>
      %dma_wait3A_12 = tpu.memref_slice %arg3[%mul3A_2] : memref<65536xi32, #tpu.memory_space<hbm>> -> memref<128xi32, #tpu.memory_space<hbm>>
      tpu.wait_dma2 semaphore(%run_scoped3A : memref<!tpu.dma_semaphore, #tpu.memory_space<semaphore_mem>>) src(%dma_wait3A_12 : memref<128xi32, #tpu.memory_space<hbm>>) dst(%arg5 : memref<128xi32, #tpu.memory_space<vmem>>)
      tpu.yield
    }) : () -> ()
    %dma_start3A = arith.constant 0 : i32
    %dma_start3A_3 = arith.constant 0 : i32
    %dma_start3A_4 = tpu.memref_slice %arg2[%dma_start3A, %dma_start3A_3] : memref<4096x256xf32, #tpu.memory_space<hbm>> -> memref<4096x256xf32, #tpu.memory_space<hbm>>
    tpu.enqueue_indirect_dma source(%dma_start3A_4 : memref<4096x256xf32, #tpu.memory_space<hbm>>) target(%arg7 : memref<128x256xf32, #tpu.memory_space<vmem>>) offsets(%arg5 : memref<128xi32, #tpu.memory_space<vmem>>) semaphore(%arg9 : memref<!tpu.dma_semaphore, #tpu.memory_space<semaphore_mem>>)
    %scan3A = arith.constant 0 : i32
    %scan3A_5 = arith.constant 0 : i32
    %scan3A_6 = arith.constant 8 : i32
    %scan3A_7 = arith.addi %scan3A_5, %scan3A_6 : i32
    %scan3A_8 = arith.constant 1 : i32
    scf.for %scan3A_10 = %scan3A_5 to %scan3A_7 step %scan3A_8  : i32 {
      %mul3A_11 = arith.constant 2 : i32
      %mul3A_12 = arith.muli %mul3A_11, %scan3A_10 : i32
      %add3A_13 = arith.constant 1 : i32
      %add3A_14 = arith.addi %mul3A_12, %add3A_13 : i32
      %mul3A_15 = arith.constant 128 : i32
      %mul3A_16 = arith.muli %add3A_14, %mul3A_15 : i32
      %add3A_17 = arith.addi %mul3A_2, %mul3A_16 : i32
      "tpu.region"() ({
        %run_scoped3A = tpu.sem_alloc : memref<!tpu.dma_semaphore, #tpu.memory_space<semaphore_mem>>
        %dma_start3A_36 = tpu.memref_slice %arg3[%add3A_17] : memref<65536xi32, #tpu.memory_space<hbm>> -> memref<128xi32, #tpu.memory_space<hbm>>
        %dma_start3A_37 = tpu.memref_slice %arg3[%add3A_17] : memref<65536xi32, #tpu.memory_space<hbm>> -> memref<128xi32, #tpu.memory_space<hbm>>
        tpu.enqueue_dma source(%dma_start3A_37 : memref<128xi32, #tpu.memory_space<hbm>>) target(%arg6 : memref<128xi32, #tpu.memory_space<vmem>>) target_semaphore(%run_scoped3A : memref<!tpu.dma_semaphore, #tpu.memory_space<semaphore_mem>>)
        %dma_wait3A_38 = tpu.memref_slice %arg3[%add3A_17] : memref<65536xi32, #tpu.memory_space<hbm>> -> memref<128xi32, #tpu.memory_space<hbm>>
        %dma_wait3A_39 = tpu.memref_slice %arg3[%add3A_17] : memref<65536xi32, #tpu.memory_space<hbm>> -> memref<128xi32, #tpu.memory_space<hbm>>
        tpu.wait_dma2 semaphore(%run_scoped3A : memref<!tpu.dma_semaphore, #tpu.memory_space<semaphore_mem>>) src(%dma_wait3A_39 : memref<128xi32, #tpu.memory_space<hbm>>) dst(%arg6 : memref<128xi32, #tpu.memory_space<vmem>>)
        tpu.yield
      }) : () -> ()
      %dma_start3A_18 = arith.constant 0 : i32
      %dma_start3A_19 = arith.constant 0 : i32
      %dma_start3A_20 = tpu.memref_slice %arg2[%dma_start3A_18, %dma_start3A_19] : memref<4096x256xf32, #tpu.memory_space<hbm>> -> memref<4096x256xf32, #tpu.memory_space<hbm>>
      tpu.enqueue_indirect_dma source(%dma_start3A_20 : memref<4096x256xf32, #tpu.memory_space<hbm>>) target(%arg8 : memref<128x256xf32, #tpu.memory_space<vmem>>) offsets(%arg6 : memref<128xi32, #tpu.memory_space<vmem>>) semaphore(%arg10 : memref<!tpu.dma_semaphore, #tpu.memory_space<semaphore_mem>>)
      %dma_wait3A = arith.constant 0 : i32
      %dma_wait3A_21 = arith.constant 0 : i32
      %dma_wait3A_22 = tpu.memref_slice %arg2[%dma_wait3A, %dma_wait3A_21] : memref<4096x256xf32, #tpu.memory_space<hbm>> -> memref<4096x256xf32, #tpu.memory_space<hbm>>
      tpu.wait_indirect_dma semaphore(%arg9 : memref<!tpu.dma_semaphore, #tpu.memory_space<semaphore_mem>>) src(%dma_wait3A_22 : memref<4096x256xf32, #tpu.memory_space<hbm>>) dst(%arg7 : memref<128x256xf32, #tpu.memory_space<vmem>>)
      %mul3A_23 = arith.constant 128 : i32
      %mul3A_24 = arith.muli %mul3A_12, %mul3A_23 : i32
      %add3A_25 = arith.addi %mul3A_2, %mul3A_24 : i32
      "tpu.region"() ({
        %run_scoped3A = tpu.sem_alloc : memref<!tpu.dma_semaphore, #tpu.memory_space<semaphore_mem>>
        %dma_start3A_36 = arith.constant 0 : i32
        %dma_start3A_37 = tpu.memref_slice %arg4[%add3A_25, %dma_start3A_36] : memref<65536x256xf32, #tpu.memory_space<hbm>> -> memref<128x256xf32, #tpu.memory_space<hbm>>
        %dma_start3A_38 = arith.constant 0 : i32
        %dma_start3A_39 = tpu.memref_slice %arg4[%add3A_25, %dma_start3A_38] : memref<65536x256xf32, #tpu.memory_space<hbm>> -> memref<128x256xf32, #tpu.memory_space<hbm>>
        tpu.enqueue_dma source(%arg7 : memref<128x256xf32, #tpu.memory_space<vmem>>) target(%dma_start3A_39 : memref<128x256xf32, #tpu.memory_space<hbm>>) target_semaphore(%run_scoped3A : memref<!tpu.dma_semaphore, #tpu.memory_space<semaphore_mem>>)
        %dma_wait3A_40 = arith.constant 0 : i32
        %dma_wait3A_41 = tpu.memref_slice %arg4[%add3A_25, %dma_wait3A_40] : memref<65536x256xf32, #tpu.memory_space<hbm>> -> memref<128x256xf32, #tpu.memory_space<hbm>>
        %dma_wait3A_42 = arith.constant 0 : i32
        %dma_wait3A_43 = tpu.memref_slice %arg4[%add3A_25, %dma_wait3A_42] : memref<65536x256xf32, #tpu.memory_space<hbm>> -> memref<128x256xf32, #tpu.memory_space<hbm>>
        tpu.wait_dma2 semaphore(%run_scoped3A : memref<!tpu.dma_semaphore, #tpu.memory_space<semaphore_mem>>) src(%arg7 : memref<128x256xf32, #tpu.memory_space<vmem>>) dst(%dma_wait3A_43 : memref<128x256xf32, #tpu.memory_space<hbm>>)
        tpu.yield
      }) : () -> ()
      %lt3A = arith.constant 7 : i32
      %lt3A_26 = arith.cmpi slt, %scan3A_10, %lt3A : i32
      %convert_element_type3A = arith.extui %lt3A_26 : i1 to i32
      %cond3A = arith.constant 0 : i32
      %cond3A_27 = arith.cmpi ne, %convert_element_type3A, %cond3A : i32
      scf.if %cond3A_27 {
        %add3A_36 = arith.constant 2 : i32
        %add3A_37 = arith.addi %mul3A_12, %add3A_36 : i32
        %mul3A_38 = arith.constant 128 : i32
        %mul3A_39 = arith.muli %add3A_37, %mul3A_38 : i32
        %add3A_40 = arith.addi %mul3A_2, %mul3A_39 : i32
        "tpu.region"() ({
          %run_scoped3A = tpu.sem_alloc : memref<!tpu.dma_semaphore, #tpu.memory_space<semaphore_mem>>
          %dma_start3A_44 = tpu.memref_slice %arg3[%add3A_40] : memref<65536xi32, #tpu.memory_space<hbm>> -> memref<128xi32, #tpu.memory_space<hbm>>
          %dma_start3A_45 = tpu.memref_slice %arg3[%add3A_40] : memref<65536xi32, #tpu.memory_space<hbm>> -> memref<128xi32, #tpu.memory_space<hbm>>
          tpu.enqueue_dma source(%dma_start3A_45 : memref<128xi32, #tpu.memory_space<hbm>>) target(%arg5 : memref<128xi32, #tpu.memory_space<vmem>>) target_semaphore(%run_scoped3A : memref<!tpu.dma_semaphore, #tpu.memory_space<semaphore_mem>>)
          %dma_wait3A_46 = tpu.memref_slice %arg3[%add3A_40] : memref<65536xi32, #tpu.memory_space<hbm>> -> memref<128xi32, #tpu.memory_space<hbm>>
          %dma_wait3A_47 = tpu.memref_slice %arg3[%add3A_40] : memref<65536xi32, #tpu.memory_space<hbm>> -> memref<128xi32, #tpu.memory_space<hbm>>
          tpu.wait_dma2 semaphore(%run_scoped3A : memref<!tpu.dma_semaphore, #tpu.memory_space<semaphore_mem>>) src(%dma_wait3A_47 : memref<128xi32, #tpu.memory_space<hbm>>) dst(%arg5 : memref<128xi32, #tpu.memory_space<vmem>>)
          tpu.yield
        }) : () -> ()
        %dma_start3A_41 = arith.constant 0 : i32
        %dma_start3A_42 = arith.constant 0 : i32
        %dma_start3A_43 = tpu.memref_slice %arg2[%dma_start3A_41, %dma_start3A_42] : memref<4096x256xf32, #tpu.memory_space<hbm>> -> memref<4096x256xf32, #tpu.memory_space<hbm>>
        tpu.enqueue_indirect_dma source(%dma_start3A_43 : memref<4096x256xf32, #tpu.memory_space<hbm>>) target(%arg7 : memref<128x256xf32, #tpu.memory_space<vmem>>) offsets(%arg5 : memref<128xi32, #tpu.memory_space<vmem>>) semaphore(%arg9 : memref<!tpu.dma_semaphore, #tpu.memory_space<semaphore_mem>>)
      } else {
      }
      %dma_wait3A_28 = arith.constant 0 : i32
      %dma_wait3A_29 = arith.constant 0 : i32
      %dma_wait3A_30 = tpu.memref_slice %arg2[%dma_wait3A_28, %dma_wait3A_29] : memref<4096x256xf32, #tpu.memory_space<hbm>> -> memref<4096x256xf32, #tpu.memory_space<hbm>>
      tpu.wait_indirect_dma semaphore(%arg10 : memref<!tpu.dma_semaphore, #tpu.memory_space<semaphore_mem>>) src(%dma_wait3A_30 : memref<4096x256xf32, #tpu.memory_space<hbm>>) dst(%arg8 : memref<128x256xf32, #tpu.memory_space<vmem>>)
      %add3A_31 = arith.constant 1 : i32
      %add3A_32 = arith.addi %mul3A_12, %add3A_31 : i32
      %mul3A_33 = arith.constant 128 : i32
      %mul3A_34 = arith.muli %add3A_32, %mul3A_33 : i32
      %add3A_35 = arith.addi %mul3A_2, %mul3A_34 : i32
      "tpu.region"() ({
        %run_scoped3A = tpu.sem_alloc : memref<!tpu.dma_semaphore, #tpu.memory_space<semaphore_mem>>
        %dma_start3A_36 = arith.constant 0 : i32
        %dma_start3A_37 = tpu.memref_slice %arg4[%add3A_35, %dma_start3A_36] : memref<65536x256xf32, #tpu.memory_space<hbm>> -> memref<128x256xf32, #tpu.memory_space<hbm>>
        %dma_start3A_38 = arith.constant 0 : i32
        %dma_start3A_39 = tpu.memref_slice %arg4[%add3A_35, %dma_start3A_38] : memref<65536x256xf32, #tpu.memory_space<hbm>> -> memref<128x256xf32, #tpu.memory_space<hbm>>
        tpu.enqueue_dma source(%arg8 : memref<128x256xf32, #tpu.memory_space<vmem>>) target(%dma_start3A_39 : memref<128x256xf32, #tpu.memory_space<hbm>>) target_semaphore(%run_scoped3A : memref<!tpu.dma_semaphore, #tpu.memory_space<semaphore_mem>>)
        %dma_wait3A_40 = arith.constant 0 : i32
        %dma_wait3A_41 = tpu.memref_slice %arg4[%add3A_35, %dma_wait3A_40] : memref<65536x256xf32, #tpu.memory_space<hbm>> -> memref<128x256xf32, #tpu.memory_space<hbm>>
        %dma_wait3A_42 = arith.constant 0 : i32
        %dma_wait3A_43 = tpu.memref_slice %arg4[%add3A_35, %dma_wait3A_42] : memref<65536x256xf32, #tpu.memory_space<hbm>> -> memref<128x256xf32, #tpu.memory_space<hbm>>
        tpu.wait_dma2 semaphore(%run_scoped3A : memref<!tpu.dma_semaphore, #tpu.memory_space<semaphore_mem>>) src(%arg8 : memref<128x256xf32, #tpu.memory_space<vmem>>) dst(%dma_wait3A_43 : memref<128x256xf32, #tpu.memory_space<hbm>>)
        tpu.yield
      }) : () -> ()
    }
    %scan3A_9 = arith.constant 8 : i32
    return
  }
}

#map = affine_map<(d0, d1) -> (0, 0)>
#map1 = affine_map<(d0, d1) -> (0)>
module attributes {stable_mosaic.version = 14 : i64} {
  func.func @k3(%arg0: i32, %arg1: i32, %arg2: memref<4096x256xf32, #tpu.memory_space<hbm>>, %arg3: memref<65536xi32, #tpu.memory_space<hbm>>, %arg4: memref<65536x256xf32, #tpu.memory_space<hbm>>, %arg5: memref<128xi32, #tpu.memory_space<vmem>>, %arg6: memref<128xi32, #tpu.memory_space<vmem>>, %arg7: memref<128x256xf32, #tpu.memory_space<vmem>>, %arg8: memref<128x256xf32, #tpu.memory_space<vmem>>, %arg9: memref<!tpu.dma_semaphore, #tpu.memory_space<semaphore_mem>>, %arg10: memref<!tpu.dma_semaphore, #tpu.memory_space<semaphore_mem>>) attributes {dimension_semantics = [#tpu.dimension_semantics<core_parallel>, #tpu.dimension_semantics<subcore_parallel>], iteration_bounds = array<i64: 2, 16>, scalar_prefetch = 0 : i64, scratch_operands = 6 : i64, tpu.core_type = #tpu.core_type<sc_vector_subcore>, window_params = [{transform_indices = #map}, {transform_indices = #map1}, {transform_indices = #map}]} {
    %mul3A = arith.constant 2 : i32
    %mul3A_0 = arith.muli %arg1, %mul3A : i32
    %add3A = arith.addi %mul3A_0, %arg0 : i32
    %mul3A_1 = arith.constant 2048 : i32
    %mul3A_2 = arith.muli %add3A, %mul3A_1 : i32
    "tpu.region"() ({
      %run_scoped3A = tpu.sem_alloc : memref<!tpu.dma_semaphore, #tpu.memory_space<semaphore_mem>>
      %dma_start3A_10 = tpu.memref_slice %arg3[%mul3A_2] : memref<65536xi32, #tpu.memory_space<hbm>> -> memref<128xi32, #tpu.memory_space<hbm>>
      %dma_start3A_11 = tpu.memref_slice %arg3[%mul3A_2] : memref<65536xi32, #tpu.memory_space<hbm>> -> memref<128xi32, #tpu.memory_space<hbm>>
      tpu.enqueue_dma source(%dma_start3A_11 : memref<128xi32, #tpu.memory_space<hbm>>) target(%arg5 : memref<128xi32, #tpu.memory_space<vmem>>) target_semaphore(%run_scoped3A : memref<!tpu.dma_semaphore, #tpu.memory_space<semaphore_mem>>)
      %dma_wait3A = tpu.memref_slice %arg3[%mul3A_2] : memref<65536xi32, #tpu.memory_space<hbm>> -> memref<128xi32, #tpu.memory_space<hbm>>
      %dma_wait3A_12 = tpu.memref_slice %arg3[%mul3A_2] : memref<65536xi32, #tpu.memory_space<hbm>> -> memref<128xi32, #tpu.memory_space<hbm>>
      tpu.wait_dma2 semaphore(%run_scoped3A : memref<!tpu.dma_semaphore, #tpu.memory_space<semaphore_mem>>) src(%dma_wait3A_12 : memref<128xi32, #tpu.memory_space<hbm>>) dst(%arg5 : memref<128xi32, #tpu.memory_space<vmem>>)
      tpu.yield
    }) : () -> ()
    %dma_start3A = arith.constant 0 : i32
    %dma_start3A_3 = arith.constant 0 : i32
    %dma_start3A_4 = tpu.memref_slice %arg2[%dma_start3A, %dma_start3A_3] : memref<4096x256xf32, #tpu.memory_space<hbm>> -> memref<4096x256xf32, #tpu.memory_space<hbm>>
    tpu.enqueue_indirect_dma source(%dma_start3A_4 : memref<4096x256xf32, #tpu.memory_space<hbm>>) target(%arg7 : memref<128x256xf32, #tpu.memory_space<vmem>>) offsets(%arg5 : memref<128xi32, #tpu.memory_space<vmem>>) semaphore(%arg9 : memref<!tpu.dma_semaphore, #tpu.memory_space<semaphore_mem>>)
    %scan3A = arith.constant 0 : i32
    %scan3A_5 = arith.constant 0 : i32
    %scan3A_6 = arith.constant 8 : i32
    %scan3A_7 = arith.addi %scan3A_5, %scan3A_6 : i32
    %scan3A_8 = arith.constant 1 : i32
    scf.for %scan3A_10 = %scan3A_5 to %scan3A_7 step %scan3A_8  : i32 {
      %mul3A_11 = arith.constant 2 : i32
      %mul3A_12 = arith.muli %mul3A_11, %scan3A_10 : i32
      %add3A_13 = arith.constant 1 : i32
      %add3A_14 = arith.addi %mul3A_12, %add3A_13 : i32
      %mul3A_15 = arith.constant 128 : i32
      %mul3A_16 = arith.muli %add3A_14, %mul3A_15 : i32
      %add3A_17 = arith.addi %mul3A_2, %mul3A_16 : i32
      "tpu.region"() ({
        %run_scoped3A = tpu.sem_alloc : memref<!tpu.dma_semaphore, #tpu.memory_space<semaphore_mem>>
        %dma_start3A_36 = tpu.memref_slice %arg3[%add3A_17] : memref<65536xi32, #tpu.memory_space<hbm>> -> memref<128xi32, #tpu.memory_space<hbm>>
        %dma_start3A_37 = tpu.memref_slice %arg3[%add3A_17] : memref<65536xi32, #tpu.memory_space<hbm>> -> memref<128xi32, #tpu.memory_space<hbm>>
        tpu.enqueue_dma source(%dma_start3A_37 : memref<128xi32, #tpu.memory_space<hbm>>) target(%arg6 : memref<128xi32, #tpu.memory_space<vmem>>) target_semaphore(%run_scoped3A : memref<!tpu.dma_semaphore, #tpu.memory_space<semaphore_mem>>)
        %dma_wait3A_38 = tpu.memref_slice %arg3[%add3A_17] : memref<65536xi32, #tpu.memory_space<hbm>> -> memref<128xi32, #tpu.memory_space<hbm>>
        %dma_wait3A_39 = tpu.memref_slice %arg3[%add3A_17] : memref<65536xi32, #tpu.memory_space<hbm>> -> memref<128xi32, #tpu.memory_space<hbm>>
        tpu.wait_dma2 semaphore(%run_scoped3A : memref<!tpu.dma_semaphore, #tpu.memory_space<semaphore_mem>>) src(%dma_wait3A_39 : memref<128xi32, #tpu.memory_space<hbm>>) dst(%arg6 : memref<128xi32, #tpu.memory_space<vmem>>)
        tpu.yield
      }) : () -> ()
      %dma_start3A_18 = arith.constant 0 : i32
      %dma_start3A_19 = arith.constant 0 : i32
      %dma_start3A_20 = tpu.memref_slice %arg2[%dma_start3A_18, %dma_start3A_19] : memref<4096x256xf32, #tpu.memory_space<hbm>> -> memref<4096x256xf32, #tpu.memory_space<hbm>>
      tpu.enqueue_indirect_dma source(%dma_start3A_20 : memref<4096x256xf32, #tpu.memory_space<hbm>>) target(%arg8 : memref<128x256xf32, #tpu.memory_space<vmem>>) offsets(%arg6 : memref<128xi32, #tpu.memory_space<vmem>>) semaphore(%arg10 : memref<!tpu.dma_semaphore, #tpu.memory_space<semaphore_mem>>)
      %dma_wait3A = arith.constant 0 : i32
      %dma_wait3A_21 = arith.constant 0 : i32
      %dma_wait3A_22 = tpu.memref_slice %arg2[%dma_wait3A, %dma_wait3A_21] : memref<4096x256xf32, #tpu.memory_space<hbm>> -> memref<4096x256xf32, #tpu.memory_space<hbm>>
      tpu.wait_indirect_dma semaphore(%arg9 : memref<!tpu.dma_semaphore, #tpu.memory_space<semaphore_mem>>) src(%dma_wait3A_22 : memref<4096x256xf32, #tpu.memory_space<hbm>>) dst(%arg7 : memref<128x256xf32, #tpu.memory_space<vmem>>)
      %mul3A_23 = arith.constant 128 : i32
      %mul3A_24 = arith.muli %mul3A_12, %mul3A_23 : i32
      %add3A_25 = arith.addi %mul3A_2, %mul3A_24 : i32
      "tpu.region"() ({
        %run_scoped3A = tpu.sem_alloc : memref<!tpu.dma_semaphore, #tpu.memory_space<semaphore_mem>>
        %dma_start3A_36 = arith.constant 0 : i32
        %dma_start3A_37 = tpu.memref_slice %arg4[%add3A_25, %dma_start3A_36] : memref<65536x256xf32, #tpu.memory_space<hbm>> -> memref<128x256xf32, #tpu.memory_space<hbm>>
        %dma_start3A_38 = arith.constant 0 : i32
        %dma_start3A_39 = tpu.memref_slice %arg4[%add3A_25, %dma_start3A_38] : memref<65536x256xf32, #tpu.memory_space<hbm>> -> memref<128x256xf32, #tpu.memory_space<hbm>>
        tpu.enqueue_dma source(%arg7 : memref<128x256xf32, #tpu.memory_space<vmem>>) target(%dma_start3A_39 : memref<128x256xf32, #tpu.memory_space<hbm>>) target_semaphore(%run_scoped3A : memref<!tpu.dma_semaphore, #tpu.memory_space<semaphore_mem>>)
        %dma_wait3A_40 = arith.constant 0 : i32
        %dma_wait3A_41 = tpu.memref_slice %arg4[%add3A_25, %dma_wait3A_40] : memref<65536x256xf32, #tpu.memory_space<hbm>> -> memref<128x256xf32, #tpu.memory_space<hbm>>
        %dma_wait3A_42 = arith.constant 0 : i32
        %dma_wait3A_43 = tpu.memref_slice %arg4[%add3A_25, %dma_wait3A_42] : memref<65536x256xf32, #tpu.memory_space<hbm>> -> memref<128x256xf32, #tpu.memory_space<hbm>>
        tpu.wait_dma2 semaphore(%run_scoped3A : memref<!tpu.dma_semaphore, #tpu.memory_space<semaphore_mem>>) src(%arg7 : memref<128x256xf32, #tpu.memory_space<vmem>>) dst(%dma_wait3A_43 : memref<128x256xf32, #tpu.memory_space<hbm>>)
        tpu.yield
      }) : () -> ()
      %lt3A = arith.constant 7 : i32
      %lt3A_26 = arith.cmpi slt, %scan3A_10, %lt3A : i32
      %convert_element_type3A = arith.extui %lt3A_26 : i1 to i32
      %cond3A = arith.constant 0 : i32
      %cond3A_27 = arith.cmpi ne, %convert_element_type3A, %cond3A : i32
      scf.if %cond3A_27 {
        %add3A_36 = arith.constant 2 : i32
        %add3A_37 = arith.addi %mul3A_12, %add3A_36 : i32
        %mul3A_38 = arith.constant 128 : i32
        %mul3A_39 = arith.muli %add3A_37, %mul3A_38 : i32
        %add3A_40 = arith.addi %mul3A_2, %mul3A_39 : i32
        "tpu.region"() ({
          %run_scoped3A = tpu.sem_alloc : memref<!tpu.dma_semaphore, #tpu.memory_space<semaphore_mem>>
          %dma_start3A_44 = tpu.memref_slice %arg3[%add3A_40] : memref<65536xi32, #tpu.memory_space<hbm>> -> memref<128xi32, #tpu.memory_space<hbm>>
          %dma_start3A_45 = tpu.memref_slice %arg3[%add3A_40] : memref<65536xi32, #tpu.memory_space<hbm>> -> memref<128xi32, #tpu.memory_space<hbm>>
          tpu.enqueue_dma source(%dma_start3A_45 : memref<128xi32, #tpu.memory_space<hbm>>) target(%arg5 : memref<128xi32, #tpu.memory_space<vmem>>) target_semaphore(%run_scoped3A : memref<!tpu.dma_semaphore, #tpu.memory_space<semaphore_mem>>)
          %dma_wait3A_46 = tpu.memref_slice %arg3[%add3A_40] : memref<65536xi32, #tpu.memory_space<hbm>> -> memref<128xi32, #tpu.memory_space<hbm>>
          %dma_wait3A_47 = tpu.memref_slice %arg3[%add3A_40] : memref<65536xi32, #tpu.memory_space<hbm>> -> memref<128xi32, #tpu.memory_space<hbm>>
          tpu.wait_dma2 semaphore(%run_scoped3A : memref<!tpu.dma_semaphore, #tpu.memory_space<semaphore_mem>>) src(%dma_wait3A_47 : memref<128xi32, #tpu.memory_space<hbm>>) dst(%arg5 : memref<128xi32, #tpu.memory_space<vmem>>)
          tpu.yield
        }) : () -> ()
        %dma_start3A_41 = arith.constant 0 : i32
        %dma_start3A_42 = arith.constant 0 : i32
        %dma_start3A_43 = tpu.memref_slice %arg2[%dma_start3A_41, %dma_start3A_42] : memref<4096x256xf32, #tpu.memory_space<hbm>> -> memref<4096x256xf32, #tpu.memory_space<hbm>>
        tpu.enqueue_indirect_dma source(%dma_start3A_43 : memref<4096x256xf32, #tpu.memory_space<hbm>>) target(%arg7 : memref<128x256xf32, #tpu.memory_space<vmem>>) offsets(%arg5 : memref<128xi32, #tpu.memory_space<vmem>>) semaphore(%arg9 : memref<!tpu.dma_semaphore, #tpu.memory_space<semaphore_mem>>)
      } else {
      }
      %dma_wait3A_28 = arith.constant 0 : i32
      %dma_wait3A_29 = arith.constant 0 : i32
      %dma_wait3A_30 = tpu.memref_slice %arg2[%dma_wait3A_28, %dma_wait3A_29] : memref<4096x256xf32, #tpu.memory_space<hbm>> -> memref<4096x256xf32, #tpu.memory_space<hbm>>
      tpu.wait_indirect_dma semaphore(%arg10 : memref<!tpu.dma_semaphore, #tpu.memory_space<semaphore_mem>>) src(%dma_wait3A_30 : memref<4096x256xf32, #tpu.memory_space<hbm>>) dst(%arg8 : memref<128x256xf32, #tpu.memory_space<vmem>>)
      %add3A_31 = arith.constant 1 : i32
      %add3A_32 = arith.addi %mul3A_12, %add3A_31 : i32
      %mul3A_33 = arith.constant 128 : i32
      %mul3A_34 = arith.muli %add3A_32, %mul3A_33 : i32
      %add3A_35 = arith.addi %mul3A_2, %mul3A_34 : i32
      "tpu.region"() ({
        %run_scoped3A = tpu.sem_alloc : memref<!tpu.dma_semaphore, #tpu.memory_space<semaphore_mem>>
        %dma_start3A_36 = arith.constant 0 : i32
        %dma_start3A_37 = tpu.memref_slice %arg4[%add3A_35, %dma_start3A_36] : memref<65536x256xf32, #tpu.memory_space<hbm>> -> memref<128x256xf32, #tpu.memory_space<hbm>>
        %dma_start3A_38 = arith.constant 0 : i32
        %dma_start3A_39 = tpu.memref_slice %arg4[%add3A_35, %dma_start3A_38] : memref<65536x256xf32, #tpu.memory_space<hbm>> -> memref<128x256xf32, #tpu.memory_space<hbm>>
        tpu.enqueue_dma source(%arg8 : memref<128x256xf32, #tpu.memory_space<vmem>>) target(%dma_start3A_39 : memref<128x256xf32, #tpu.memory_space<hbm>>) target_semaphore(%run_scoped3A : memref<!tpu.dma_semaphore, #tpu.memory_space<semaphore_mem>>)
        %dma_wait3A_40 = arith.constant 0 : i32
        %dma_wait3A_41 = tpu.memref_slice %arg4[%add3A_35, %dma_wait3A_40] : memref<65536x256xf32, #tpu.memory_space<hbm>> -> memref<128x256xf32, #tpu.memory_space<hbm>>
        %dma_wait3A_42 = arith.constant 0 : i32
        %dma_wait3A_43 = tpu.memref_slice %arg4[%add3A_35, %dma_wait3A_42] : memref<65536x256xf32, #tpu.memory_space<hbm>> -> memref<128x256xf32, #tpu.memory_space<hbm>>
        tpu.wait_dma2 semaphore(%run_scoped3A : memref<!tpu.dma_semaphore, #tpu.memory_space<semaphore_mem>>) src(%arg8 : memref<128x256xf32, #tpu.memory_space<vmem>>) dst(%dma_wait3A_43 : memref<128x256xf32, #tpu.memory_space<hbm>>)
        tpu.yield
      }) : () -> ()
    }
    %scan3A_9 = arith.constant 8 : i32
    return
  }
}

module attributes {stable_mosaic.version = 14 : i64} {
  func.func @_k2_body(%arg0: i32, %arg1: i32, %arg2: memref<1x256x8xf32, #tpu.memory_space<vmem>>, %arg3: memref<1x8x4096xf32, #tpu.memory_space<vmem>>, %arg4: memref<1x256x16xi32, #tpu.memory_space<vmem>>) attributes {dimension_semantics = [#tpu.dimension_semantics<arbitrary>, #tpu.dimension_semantics<arbitrary>], iteration_bounds = array<i64: 1, 16>, scalar_prefetch = 0 : i64, scratch_operands = 0 : i64, tpu.core_type = #tpu.core_type<tc>, window_params = [{transform_indices = @transform_0, window_bounds = array<i64: 1, 256, 8>}, {transform_indices = @transform_1, window_bounds = array<i64: 1, 8, 4096>}, {transform_indices = @transform_2, window_bounds = array<i64: 1, 256, 16>}]} {
    %get3A = arith.constant 0 : index
    %get3A_0 = arith.constant 0 : index
    %get3A_1 = arith.constant 0 : index
    %get3A_2 = vector.load %arg2[%get3A, %get3A_0, %get3A_1] : memref<1x256x8xf32, #tpu.memory_space<vmem>>, vector<1x256x8xf32>
    %get3A_3 = vector.shape_cast %get3A_2 : vector<1x256x8xf32> to vector<256x8xf32>
    %get3A_4 = arith.constant 0 : index
    %get3A_5 = arith.constant 0 : index
    %get3A_6 = arith.constant 0 : index
    %get3A_7 = vector.load %arg3[%get3A_4, %get3A_5, %get3A_6] : memref<1x8x4096xf32, #tpu.memory_space<vmem>>, vector<1x8x4096xf32>
    %get3A_8 = vector.shape_cast %get3A_7 : vector<1x8x4096xf32> to vector<8x4096xf32>
    %dot_general3A = arith.constant dense<0.000000e+00> : vector<256x4096xf32>
    %dot_general3A_9 = tpu.matmul %get3A_3, %get3A_8, %dot_general3A {dimension_numbers = #tpu.dot_dimension_numbers<[1], [0], [0], [1], [0, 0, 1, 1], [], []>, transpose_lhs_hint = false} : vector<256x8xf32>, vector<8x4096xf32>, vector<256x4096xf32> -> vector<256x4096xf32>
    %iota3A = tpu.iota {dimensions = array<i32: 1>} : vector<256x4096xi32>
    %bitcast_convert_type3A = tpu.bitcast %dot_general3A_9 : vector<256x4096xf32> -> vector<256x4096xi32>
    %and3A = arith.constant -4096 : i32
    %and3A_10 = vector.broadcast %and3A : i32 to vector<256x4096xi32>
    %and3A_11 = arith.andi %bitcast_convert_type3A, %and3A_10 : vector<256x4096xi32>
    %or3A = arith.ori %and3A_11, %iota3A : vector<256x4096xi32>
    %bitcast_convert_type3A_12 = tpu.bitcast %or3A : vector<256x4096xi32> -> vector<256x4096xf32>
    %slice3A = vector.extract_strided_slice %bitcast_convert_type3A_12 {offsets = [0, 0], sizes = [256, 2048], strides = [1, 1]} : vector<256x4096xf32> to vector<256x2048xf32>
    %slice3A_13 = vector.extract_strided_slice %bitcast_convert_type3A_12 {offsets = [0, 2048], sizes = [256, 2048], strides = [1, 1]} : vector<256x4096xf32> to vector<256x2048xf32>
    %min3A = arith.minimumf %slice3A, %slice3A_13 : vector<256x2048xf32>
    %slice3A_14 = vector.extract_strided_slice %bitcast_convert_type3A_12 {offsets = [0, 0], sizes = [256, 2048], strides = [1, 1]} : vector<256x4096xf32> to vector<256x2048xf32>
    %slice3A_15 = vector.extract_strided_slice %bitcast_convert_type3A_12 {offsets = [0, 2048], sizes = [256, 2048], strides = [1, 1]} : vector<256x4096xf32> to vector<256x2048xf32>
    %max3A = arith.maximumf %slice3A_14, %slice3A_15 : vector<256x2048xf32>
    %reduce_min3A = arith.constant dense<0x7F800000> : vector<256xf32>
    %reduce_min3A_16 = vector.multi_reduction <minimumf>, %min3A, %reduce_min3A [1] : vector<256x2048xf32> to vector<256xf32>
    %broadcast_in_dim3A = vector.shape_cast %reduce_min3A_16 : vector<256xf32> to vector<256x1xf32>
    %bitcast_convert_type3A_17 = tpu.bitcast %broadcast_in_dim3A : vector<256x1xf32> -> vector<256x1xi32>
    %and3A_18 = arith.constant 4095 : i32
    %and3A_19 = vector.broadcast %and3A_18 : i32 to vector<256x1xi32>
    %and3A_20 = arith.andi %bitcast_convert_type3A_17, %and3A_19 : vector<256x1xi32>
    %le3A = vector.broadcast %broadcast_in_dim3A : vector<256x1xf32> to vector<256x2048xf32>
    %le3A_21 = arith.cmpf ole, %min3A, %le3A : vector<256x2048xf32>
    %select_n3A = arith.select %le3A_21, %max3A, %min3A : vector<256x2048xi1>, vector<256x2048xf32>
    %jit3A = arith.constant 3.000000e+38 : f32
    %broadcast_in_dim3A_22 = vector.broadcast %jit3A : f32 to vector<256x2048xf32>
    %select_n3A_23 = arith.select %le3A_21, %broadcast_in_dim3A_22, %max3A : vector<256x2048xi1>, vector<256x2048xf32>
    %reduce_min3A_24 = arith.constant dense<0x7F800000> : vector<256xf32>
    %reduce_min3A_25 = vector.multi_reduction <minimumf>, %select_n3A, %reduce_min3A_24 [1] : vector<256x2048xf32> to vector<256xf32>
    %broadcast_in_dim3A_26 = vector.shape_cast %reduce_min3A_25 : vector<256xf32> to vector<256x1xf32>
    %bitcast_convert_type3A_27 = tpu.bitcast %broadcast_in_dim3A_26 : vector<256x1xf32> -> vector<256x1xi32>
    %and3A_28 = arith.constant 4095 : i32
    %and3A_29 = vector.broadcast %and3A_28 : i32 to vector<256x1xi32>
    %and3A_30 = arith.andi %bitcast_convert_type3A_27, %and3A_29 : vector<256x1xi32>
    %le3A_31 = vector.broadcast %broadcast_in_dim3A_26 : vector<256x1xf32> to vector<256x2048xf32>
    %le3A_32 = arith.cmpf ole, %select_n3A, %le3A_31 : vector<256x2048xf32>
    %select_n3A_33 = arith.select %le3A_32, %select_n3A_23, %select_n3A : vector<256x2048xi1>, vector<256x2048xf32>
    %jit3A_34 = arith.constant 3.000000e+38 : f32
    %broadcast_in_dim3A_35 = vector.broadcast %jit3A_34 : f32 to vector<256x2048xf32>
    %select_n3A_36 = arith.select %le3A_32, %broadcast_in_dim3A_35, %select_n3A_23 : vector<256x2048xi1>, vector<256x2048xf32>
    %reduce_min3A_37 = arith.constant dense<0x7F800000> : vector<256xf32>
    %reduce_min3A_38 = vector.multi_reduction <minimumf>, %select_n3A_33, %reduce_min3A_37 [1] : vector<256x2048xf32> to vector<256xf32>
    %broadcast_in_dim3A_39 = vector.shape_cast %reduce_min3A_38 : vector<256xf32> to vector<256x1xf32>
    %bitcast_convert_type3A_40 = tpu.bitcast %broadcast_in_dim3A_39 : vector<256x1xf32> -> vector<256x1xi32>
    %and3A_41 = arith.constant 4095 : i32
    %and3A_42 = vector.broadcast %and3A_41 : i32 to vector<256x1xi32>
    %and3A_43 = arith.andi %bitcast_convert_type3A_40, %and3A_42 : vector<256x1xi32>
    %le3A_44 = vector.broadcast %broadcast_in_dim3A_39 : vector<256x1xf32> to vector<256x2048xf32>
    %le3A_45 = arith.cmpf ole, %select_n3A_33, %le3A_44 : vector<256x2048xf32>
    %select_n3A_46 = arith.select %le3A_45, %select_n3A_36, %select_n3A_33 : vector<256x2048xi1>, vector<256x2048xf32>
    %jit3A_47 = arith.constant 3.000000e+38 : f32
    %broadcast_in_dim3A_48 = vector.broadcast %jit3A_47 : f32 to vector<256x2048xf32>
    %select_n3A_49 = arith.select %le3A_45, %broadcast_in_dim3A_48, %select_n3A_36 : vector<256x2048xi1>, vector<256x2048xf32>
    %reduce_min3A_50 = arith.constant dense<0x7F800000> : vector<256xf32>
    %reduce_min3A_51 = vector.multi_reduction <minimumf>, %select_n3A_46, %reduce_min3A_50 [1] : vector<256x2048xf32> to vector<256xf32>
    %broadcast_in_dim3A_52 = vector.shape_cast %reduce_min3A_51 : vector<256xf32> to vector<256x1xf32>
    %bitcast_convert_type3A_53 = tpu.bitcast %broadcast_in_dim3A_52 : vector<256x1xf32> -> vector<256x1xi32>
    %and3A_54 = arith.constant 4095 : i32
    %and3A_55 = vector.broadcast %and3A_54 : i32 to vector<256x1xi32>
    %and3A_56 = arith.andi %bitcast_convert_type3A_53, %and3A_55 : vector<256x1xi32>
    %le3A_57 = vector.broadcast %broadcast_in_dim3A_52 : vector<256x1xf32> to vector<256x2048xf32>
    %le3A_58 = arith.cmpf ole, %select_n3A_46, %le3A_57 : vector<256x2048xf32>
    %select_n3A_59 = arith.select %le3A_58, %select_n3A_49, %select_n3A_46 : vector<256x2048xi1>, vector<256x2048xf32>
    %jit3A_60 = arith.constant 3.000000e+38 : f32
    %broadcast_in_dim3A_61 = vector.broadcast %jit3A_60 : f32 to vector<256x2048xf32>
    %select_n3A_62 = arith.select %le3A_58, %broadcast_in_dim3A_61, %select_n3A_49 : vector<256x2048xi1>, vector<256x2048xf32>
    %reduce_min3A_63 = arith.constant dense<0x7F800000> : vector<256xf32>
    %reduce_min3A_64 = vector.multi_reduction <minimumf>, %select_n3A_59, %reduce_min3A_63 [1] : vector<256x2048xf32> to vector<256xf32>
    %broadcast_in_dim3A_65 = vector.shape_cast %reduce_min3A_64 : vector<256xf32> to vector<256x1xf32>
    %bitcast_convert_type3A_66 = tpu.bitcast %broadcast_in_dim3A_65 : vector<256x1xf32> -> vector<256x1xi32>
    %and3A_67 = arith.constant 4095 : i32
    %and3A_68 = vector.broadcast %and3A_67 : i32 to vector<256x1xi32>
    %and3A_69 = arith.andi %bitcast_convert_type3A_66, %and3A_68 : vector<256x1xi32>
    %le3A_70 = vector.broadcast %broadcast_in_dim3A_65 : vector<256x1xf32> to vector<256x2048xf32>
    %le3A_71 = arith.cmpf ole, %select_n3A_59, %le3A_70 : vector<256x2048xf32>
    %select_n3A_72 = arith.select %le3A_71, %select_n3A_62, %select_n3A_59 : vector<256x2048xi1>, vector<256x2048xf32>
    %jit3A_73 = arith.constant 3.000000e+38 : f32
    %broadcast_in_dim3A_74 = vector.broadcast %jit3A_73 : f32 to vector<256x2048xf32>
    %select_n3A_75 = arith.select %le3A_71, %broadcast_in_dim3A_74, %select_n3A_62 : vector<256x2048xi1>, vector<256x2048xf32>
    %reduce_min3A_76 = arith.constant dense<0x7F800000> : vector<256xf32>
    %reduce_min3A_77 = vector.multi_reduction <minimumf>, %select_n3A_72, %reduce_min3A_76 [1] : vector<256x2048xf32> to vector<256xf32>
    %broadcast_in_dim3A_78 = vector.shape_cast %reduce_min3A_77 : vector<256xf32> to vector<256x1xf32>
    %bitcast_convert_type3A_79 = tpu.bitcast %broadcast_in_dim3A_78 : vector<256x1xf32> -> vector<256x1xi32>
    %and3A_80 = arith.constant 4095 : i32
    %and3A_81 = vector.broadcast %and3A_80 : i32 to vector<256x1xi32>
    %and3A_82 = arith.andi %bitcast_convert_type3A_79, %and3A_81 : vector<256x1xi32>
    %le3A_83 = vector.broadcast %broadcast_in_dim3A_78 : vector<256x1xf32> to vector<256x2048xf32>
    %le3A_84 = arith.cmpf ole, %select_n3A_72, %le3A_83 : vector<256x2048xf32>
    %select_n3A_85 = arith.select %le3A_84, %select_n3A_75, %select_n3A_72 : vector<256x2048xi1>, vector<256x2048xf32>
    %jit3A_86 = arith.constant 3.000000e+38 : f32
    %broadcast_in_dim3A_87 = vector.broadcast %jit3A_86 : f32 to vector<256x2048xf32>
    %select_n3A_88 = arith.select %le3A_84, %broadcast_in_dim3A_87, %select_n3A_75 : vector<256x2048xi1>, vector<256x2048xf32>
    %reduce_min3A_89 = arith.constant dense<0x7F800000> : vector<256xf32>
    %reduce_min3A_90 = vector.multi_reduction <minimumf>, %select_n3A_85, %reduce_min3A_89 [1] : vector<256x2048xf32> to vector<256xf32>
    %broadcast_in_dim3A_91 = vector.shape_cast %reduce_min3A_90 : vector<256xf32> to vector<256x1xf32>
    %bitcast_convert_type3A_92 = tpu.bitcast %broadcast_in_dim3A_91 : vector<256x1xf32> -> vector<256x1xi32>
    %and3A_93 = arith.constant 4095 : i32
    %and3A_94 = vector.broadcast %and3A_93 : i32 to vector<256x1xi32>
    %and3A_95 = arith.andi %bitcast_convert_type3A_92, %and3A_94 : vector<256x1xi32>
    %le3A_96 = vector.broadcast %broadcast_in_dim3A_91 : vector<256x1xf32> to vector<256x2048xf32>
    %le3A_97 = arith.cmpf ole, %select_n3A_85, %le3A_96 : vector<256x2048xf32>
    %select_n3A_98 = arith.select %le3A_97, %select_n3A_88, %select_n3A_85 : vector<256x2048xi1>, vector<256x2048xf32>
    %jit3A_99 = arith.constant 3.000000e+38 : f32
    %broadcast_in_dim3A_100 = vector.broadcast %jit3A_99 : f32 to vector<256x2048xf32>
    %select_n3A_101 = arith.select %le3A_97, %broadcast_in_dim3A_100, %select_n3A_88 : vector<256x2048xi1>, vector<256x2048xf32>
    %reduce_min3A_102 = arith.constant dense<0x7F800000> : vector<256xf32>
    %reduce_min3A_103 = vector.multi_reduction <minimumf>, %select_n3A_98, %reduce_min3A_102 [1] : vector<256x2048xf32> to vector<256xf32>
    %broadcast_in_dim3A_104 = vector.shape_cast %reduce_min3A_103 : vector<256xf32> to vector<256x1xf32>
    %bitcast_convert_type3A_105 = tpu.bitcast %broadcast_in_dim3A_104 : vector<256x1xf32> -> vector<256x1xi32>
    %and3A_106 = arith.constant 4095 : i32
    %and3A_107 = vector.broadcast %and3A_106 : i32 to vector<256x1xi32>
    %and3A_108 = arith.andi %bitcast_convert_type3A_105, %and3A_107 : vector<256x1xi32>
    %le3A_109 = vector.broadcast %broadcast_in_dim3A_104 : vector<256x1xf32> to vector<256x2048xf32>
    %le3A_110 = arith.cmpf ole, %select_n3A_98, %le3A_109 : vector<256x2048xf32>
    %select_n3A_111 = arith.select %le3A_110, %select_n3A_101, %select_n3A_98 : vector<256x2048xi1>, vector<256x2048xf32>
    %jit3A_112 = arith.constant 3.000000e+38 : f32
    %broadcast_in_dim3A_113 = vector.broadcast %jit3A_112 : f32 to vector<256x2048xf32>
    %select_n3A_114 = arith.select %le3A_110, %broadcast_in_dim3A_113, %select_n3A_101 : vector<256x2048xi1>, vector<256x2048xf32>
    %reduce_min3A_115 = arith.constant dense<0x7F800000> : vector<256xf32>
    %reduce_min3A_116 = vector.multi_reduction <minimumf>, %select_n3A_111, %reduce_min3A_115 [1] : vector<256x2048xf32> to vector<256xf32>
    %broadcast_in_dim3A_117 = vector.shape_cast %reduce_min3A_116 : vector<256xf32> to vector<256x1xf32>
    %bitcast_convert_type3A_118 = tpu.bitcast %broadcast_in_dim3A_117 : vector<256x1xf32> -> vector<256x1xi32>
    %and3A_119 = arith.constant 4095 : i32
    %and3A_120 = vector.broadcast %and3A_119 : i32 to vector<256x1xi32>
    %and3A_121 = arith.andi %bitcast_convert_type3A_118, %and3A_120 : vector<256x1xi32>
    %le3A_122 = vector.broadcast %broadcast_in_dim3A_117 : vector<256x1xf32> to vector<256x2048xf32>
    %le3A_123 = arith.cmpf ole, %select_n3A_111, %le3A_122 : vector<256x2048xf32>
    %select_n3A_124 = arith.select %le3A_123, %select_n3A_114, %select_n3A_111 : vector<256x2048xi1>, vector<256x2048xf32>
    %jit3A_125 = arith.constant 3.000000e+38 : f32
    %broadcast_in_dim3A_126 = vector.broadcast %jit3A_125 : f32 to vector<256x2048xf32>
    %select_n3A_127 = arith.select %le3A_123, %broadcast_in_dim3A_126, %select_n3A_114 : vector<256x2048xi1>, vector<256x2048xf32>
    %reduce_min3A_128 = arith.constant dense<0x7F800000> : vector<256xf32>
    %reduce_min3A_129 = vector.multi_reduction <minimumf>, %select_n3A_124, %reduce_min3A_128 [1] : vector<256x2048xf32> to vector<256xf32>
    %broadcast_in_dim3A_130 = vector.shape_cast %reduce_min3A_129 : vector<256xf32> to vector<256x1xf32>
    %bitcast_convert_type3A_131 = tpu.bitcast %broadcast_in_dim3A_130 : vector<256x1xf32> -> vector<256x1xi32>
    %and3A_132 = arith.constant 4095 : i32
    %and3A_133 = vector.broadcast %and3A_132 : i32 to vector<256x1xi32>
    %and3A_134 = arith.andi %bitcast_convert_type3A_131, %and3A_133 : vector<256x1xi32>
    %le3A_135 = vector.broadcast %broadcast_in_dim3A_130 : vector<256x1xf32> to vector<256x2048xf32>
    %le3A_136 = arith.cmpf ole, %select_n3A_124, %le3A_135 : vector<256x2048xf32>
    %select_n3A_137 = arith.select %le3A_136, %select_n3A_127, %select_n3A_124 : vector<256x2048xi1>, vector<256x2048xf32>
    %jit3A_138 = arith.constant 3.000000e+38 : f32
    %broadcast_in_dim3A_139 = vector.broadcast %jit3A_138 : f32 to vector<256x2048xf32>
    %select_n3A_140 = arith.select %le3A_136, %broadcast_in_dim3A_139, %select_n3A_127 : vector<256x2048xi1>, vector<256x2048xf32>
    %reduce_min3A_141 = arith.constant dense<0x7F800000> : vector<256xf32>
    %reduce_min3A_142 = vector.multi_reduction <minimumf>, %select_n3A_137, %reduce_min3A_141 [1] : vector<256x2048xf32> to vector<256xf32>
    %broadcast_in_dim3A_143 = vector.shape_cast %reduce_min3A_142 : vector<256xf32> to vector<256x1xf32>
    %bitcast_convert_type3A_144 = tpu.bitcast %broadcast_in_dim3A_143 : vector<256x1xf32> -> vector<256x1xi32>
    %and3A_145 = arith.constant 4095 : i32
    %and3A_146 = vector.broadcast %and3A_145 : i32 to vector<256x1xi32>
    %and3A_147 = arith.andi %bitcast_convert_type3A_144, %and3A_146 : vector<256x1xi32>
    %le3A_148 = vector.broadcast %broadcast_in_dim3A_143 : vector<256x1xf32> to vector<256x2048xf32>
    %le3A_149 = arith.cmpf ole, %select_n3A_137, %le3A_148 : vector<256x2048xf32>
    %select_n3A_150 = arith.select %le3A_149, %select_n3A_140, %select_n3A_137 : vector<256x2048xi1>, vector<256x2048xf32>
    %jit3A_151 = arith.constant 3.000000e+38 : f32
    %broadcast_in_dim3A_152 = vector.broadcast %jit3A_151 : f32 to vector<256x2048xf32>
    %select_n3A_153 = arith.select %le3A_149, %broadcast_in_dim3A_152, %select_n3A_140 : vector<256x2048xi1>, vector<256x2048xf32>
    %reduce_min3A_154 = arith.constant dense<0x7F800000> : vector<256xf32>
    %reduce_min3A_155 = vector.multi_reduction <minimumf>, %select_n3A_150, %reduce_min3A_154 [1] : vector<256x2048xf32> to vector<256xf32>
    %broadcast_in_dim3A_156 = vector.shape_cast %reduce_min3A_155 : vector<256xf32> to vector<256x1xf32>
    %bitcast_convert_type3A_157 = tpu.bitcast %broadcast_in_dim3A_156 : vector<256x1xf32> -> vector<256x1xi32>
    %and3A_158 = arith.constant 4095 : i32
    %and3A_159 = vector.broadcast %and3A_158 : i32 to vector<256x1xi32>
    %and3A_160 = arith.andi %bitcast_convert_type3A_157, %and3A_159 : vector<256x1xi32>
    %le3A_161 = vector.broadcast %broadcast_in_dim3A_156 : vector<256x1xf32> to vector<256x2048xf32>
    %le3A_162 = arith.cmpf ole, %select_n3A_150, %le3A_161 : vector<256x2048xf32>
    %select_n3A_163 = arith.select %le3A_162, %select_n3A_153, %select_n3A_150 : vector<256x2048xi1>, vector<256x2048xf32>
    %jit3A_164 = arith.constant 3.000000e+38 : f32
    %broadcast_in_dim3A_165 = vector.broadcast %jit3A_164 : f32 to vector<256x2048xf32>
    %select_n3A_166 = arith.select %le3A_162, %broadcast_in_dim3A_165, %select_n3A_153 : vector<256x2048xi1>, vector<256x2048xf32>
    %reduce_min3A_167 = arith.constant dense<0x7F800000> : vector<256xf32>
    %reduce_min3A_168 = vector.multi_reduction <minimumf>, %select_n3A_163, %reduce_min3A_167 [1] : vector<256x2048xf32> to vector<256xf32>
    %broadcast_in_dim3A_169 = vector.shape_cast %reduce_min3A_168 : vector<256xf32> to vector<256x1xf32>
    %bitcast_convert_type3A_170 = tpu.bitcast %broadcast_in_dim3A_169 : vector<256x1xf32> -> vector<256x1xi32>
    %and3A_171 = arith.constant 4095 : i32
    %and3A_172 = vector.broadcast %and3A_171 : i32 to vector<256x1xi32>
    %and3A_173 = arith.andi %bitcast_convert_type3A_170, %and3A_172 : vector<256x1xi32>
    %le3A_174 = vector.broadcast %broadcast_in_dim3A_169 : vector<256x1xf32> to vector<256x2048xf32>
    %le3A_175 = arith.cmpf ole, %select_n3A_163, %le3A_174 : vector<256x2048xf32>
    %select_n3A_176 = arith.select %le3A_175, %select_n3A_166, %select_n3A_163 : vector<256x2048xi1>, vector<256x2048xf32>
    %jit3A_177 = arith.constant 3.000000e+38 : f32
    %broadcast_in_dim3A_178 = vector.broadcast %jit3A_177 : f32 to vector<256x2048xf32>
    %select_n3A_179 = arith.select %le3A_175, %broadcast_in_dim3A_178, %select_n3A_166 : vector<256x2048xi1>, vector<256x2048xf32>
    %reduce_min3A_180 = arith.constant dense<0x7F800000> : vector<256xf32>
    %reduce_min3A_181 = vector.multi_reduction <minimumf>, %select_n3A_176, %reduce_min3A_180 [1] : vector<256x2048xf32> to vector<256xf32>
    %broadcast_in_dim3A_182 = vector.shape_cast %reduce_min3A_181 : vector<256xf32> to vector<256x1xf32>
    %bitcast_convert_type3A_183 = tpu.bitcast %broadcast_in_dim3A_182 : vector<256x1xf32> -> vector<256x1xi32>
    %and3A_184 = arith.constant 4095 : i32
    %and3A_185 = vector.broadcast %and3A_184 : i32 to vector<256x1xi32>
    %and3A_186 = arith.andi %bitcast_convert_type3A_183, %and3A_185 : vector<256x1xi32>
    %le3A_187 = vector.broadcast %broadcast_in_dim3A_182 : vector<256x1xf32> to vector<256x2048xf32>
    %le3A_188 = arith.cmpf ole, %select_n3A_176, %le3A_187 : vector<256x2048xf32>
    %select_n3A_189 = arith.select %le3A_188, %select_n3A_179, %select_n3A_176 : vector<256x2048xi1>, vector<256x2048xf32>
    %jit3A_190 = arith.constant 3.000000e+38 : f32
    %broadcast_in_dim3A_191 = vector.broadcast %jit3A_190 : f32 to vector<256x2048xf32>
    %select_n3A_192 = arith.select %le3A_188, %broadcast_in_dim3A_191, %select_n3A_179 : vector<256x2048xi1>, vector<256x2048xf32>
    %reduce_min3A_193 = arith.constant dense<0x7F800000> : vector<256xf32>
    %reduce_min3A_194 = vector.multi_reduction <minimumf>, %select_n3A_189, %reduce_min3A_193 [1] : vector<256x2048xf32> to vector<256xf32>
    %broadcast_in_dim3A_195 = vector.shape_cast %reduce_min3A_194 : vector<256xf32> to vector<256x1xf32>
    %bitcast_convert_type3A_196 = tpu.bitcast %broadcast_in_dim3A_195 : vector<256x1xf32> -> vector<256x1xi32>
    %and3A_197 = arith.constant 4095 : i32
    %and3A_198 = vector.broadcast %and3A_197 : i32 to vector<256x1xi32>
    %and3A_199 = arith.andi %bitcast_convert_type3A_196, %and3A_198 : vector<256x1xi32>
    %le3A_200 = vector.broadcast %broadcast_in_dim3A_195 : vector<256x1xf32> to vector<256x2048xf32>
    %le3A_201 = arith.cmpf ole, %select_n3A_189, %le3A_200 : vector<256x2048xf32>
    %select_n3A_202 = arith.select %le3A_201, %select_n3A_192, %select_n3A_189 : vector<256x2048xi1>, vector<256x2048xf32>
    %reduce_min3A_203 = arith.constant dense<0x7F800000> : vector<256xf32>
    %reduce_min3A_204 = vector.multi_reduction <minimumf>, %select_n3A_202, %reduce_min3A_203 [1] : vector<256x2048xf32> to vector<256xf32>
    %broadcast_in_dim3A_205 = vector.shape_cast %reduce_min3A_204 : vector<256xf32> to vector<256x1xf32>
    %bitcast_convert_type3A_206 = tpu.bitcast %broadcast_in_dim3A_205 : vector<256x1xf32> -> vector<256x1xi32>
    %and3A_207 = arith.constant 4095 : i32
    %and3A_208 = vector.broadcast %and3A_207 : i32 to vector<256x1xi32>
    %and3A_209 = arith.andi %bitcast_convert_type3A_206, %and3A_208 : vector<256x1xi32>
    %concatenate3A = tpu.concatenate %and3A_20, %and3A_30, %and3A_43, %and3A_56, %and3A_69, %and3A_82, %and3A_95, %and3A_108, %and3A_121, %and3A_134, %and3A_147, %and3A_160, %and3A_173, %and3A_186, %and3A_199, %and3A_209 in 1 : vector<256x1xi32>, vector<256x1xi32>, vector<256x1xi32>, vector<256x1xi32>, vector<256x1xi32>, vector<256x1xi32>, vector<256x1xi32>, vector<256x1xi32>, vector<256x1xi32>, vector<256x1xi32>, vector<256x1xi32>, vector<256x1xi32>, vector<256x1xi32>, vector<256x1xi32>, vector<256x1xi32>, vector<256x1xi32> -> vector<256x16xi32>
    %mul3A = arith.constant 4096 : i32
    %mul3A_210 = arith.muli %arg0, %mul3A : i32
    %add3A = vector.broadcast %mul3A_210 : i32 to vector<256x16xi32>
    %add3A_211 = arith.addi %concatenate3A, %add3A : vector<256x16xi32>
    %swap3A = arith.constant 0 : index
    %swap3A_212 = arith.constant 0 : index
    %swap3A_213 = arith.constant 0 : index
    %swap3A_214 = vector.load %arg4[%swap3A, %swap3A_212, %swap3A_213] : memref<1x256x16xi32, #tpu.memory_space<vmem>>, vector<1x256x16xi32>
    %swap3A_215 = vector.shape_cast %swap3A_214 : vector<1x256x16xi32> to vector<256x16xi32>
    %swap3A_216 = vector.shape_cast %add3A_211 : vector<256x16xi32> to vector<1x256x16xi32>
    tpu.vector_store %arg4[%swap3A, %swap3A_212, %swap3A_213], %swap3A_216 {strides = array<i32>} : memref<1x256x16xi32, #tpu.memory_space<vmem>>, vector<1x256x16xi32>,
    return
  }
  func.func @transform_0(%arg0: i32, %arg1: i32) -> (i32, i32, i32) {
    %c0_i32 = arith.constant 0 : i32
    %c0_i32_0 = arith.constant 0 : i32
    return %arg0, %arg1, %c0_i32 : i32, i32, i32
  }
  func.func @transform_1(%arg0: i32, %arg1: i32) -> (i32, i32, i32) {
    %c0_i32 = arith.constant 0 : i32
    %c0_i32_0 = arith.constant 0 : i32
    %c0_i32_1 = arith.constant 0 : i32
    return %arg0, %c0_i32, %c0_i32_0 : i32, i32, i32
  }
  func.func @transform_2(%arg0: i32, %arg1: i32) -> (i32, i32, i32) {
    %c0_i32 = arith.constant 0 : i32
    %c0_i32_0 = arith.constant 0 : i32
    return %arg0, %arg1, %c0_i32 : i32, i32, i32
  }
}

module attributes {stable_mosaic.version = 14 : i64} {
  func.func @_k1_body(%arg0: i32, %arg1: i32, %arg2: memref<1x512x128xf32, #tpu.memory_space<vmem>>, %arg3: memref<1x512x16xf32, #tpu.memory_space<vmem>>, %arg4: memref<128x128xf32, #tpu.memory_space<vmem>>, %arg5: memref<1x128xf32, #tpu.memory_space<vmem>>, %arg6: memref<128x128xf32, #tpu.memory_space<vmem>>, %arg7: memref<1x128xf32, #tpu.memory_space<vmem>>, %arg8: memref<128x128xf32, #tpu.memory_space<vmem>>, %arg9: memref<1x128xf32, #tpu.memory_space<vmem>>, %arg10: memref<128x128xf32, #tpu.memory_space<vmem>>, %arg11: memref<1x128xf32, #tpu.memory_space<vmem>>, %arg12: memref<16x128xf32, #tpu.memory_space<vmem>>, %arg13: memref<1x512x256xf32, #tpu.memory_space<vmem>>, %arg14: memref<1x512x128xf32, #tpu.memory_space<vmem>>, %arg15: memref<1x512x128xf32, #tpu.memory_space<vmem>>) attributes {dimension_semantics = [#tpu.dimension_semantics<arbitrary>, #tpu.dimension_semantics<arbitrary>], iteration_bounds = array<i64: 2, 8>, scalar_prefetch = 0 : i64, scratch_operands = 0 : i64, tpu.core_type = #tpu.core_type<tc>, window_params = [{transform_indices = @transform_0, window_bounds = array<i64: 1, 512, 128>}, {transform_indices = @transform_1, window_bounds = array<i64: 1, 512, 16>}, {pipeline_mode = #tpu.pipeline_mode<synchronous>, transform_indices = @transform_2, window_bounds = array<i64: 128, 128>}, {pipeline_mode = #tpu.pipeline_mode<synchronous>, transform_indices = @transform_3, window_bounds = array<i64: 1, 128>}, {pipeline_mode = #tpu.pipeline_mode<synchronous>, transform_indices = @transform_4, window_bounds = array<i64: 128, 128>}, {pipeline_mode = #tpu.pipeline_mode<synchronous>, transform_indices = @transform_5, window_bounds = array<i64: 1, 128>}, {pipeline_mode = #tpu.pipeline_mode<synchronous>, transform_indices = @transform_6, window_bounds = array<i64: 128, 128>}, {pipeline_mode = #tpu.pipeline_mode<synchronous>, transform_indices = @transform_7, window_bounds = array<i64: 1, 128>}, {pipeline_mode = #tpu.pipeline_mode<synchronous>, transform_indices = @transform_8, window_bounds = array<i64: 128, 128>}, {pipeline_mode = #tpu.pipeline_mode<synchronous>, transform_indices = @transform_9, window_bounds = array<i64: 1, 128>}, {pipeline_mode = #tpu.pipeline_mode<synchronous>, transform_indices = @transform_10, window_bounds = array<i64: 16, 128>}, {transform_indices = @transform_11, window_bounds = array<i64: 1, 512, 256>}, {transform_indices = @transform_12, window_bounds = array<i64: 1, 512, 128>}, {transform_indices = @transform_13, window_bounds = array<i64: 1, 512, 128>}]} {
    %get3A = arith.constant 0 : index
    %get3A_0 = arith.constant 0 : index
    %get3A_1 = arith.constant 0 : index
    %get3A_2 = vector.load %arg2[%get3A, %get3A_0, %get3A_1] : memref<1x512x128xf32, #tpu.memory_space<vmem>>, vector<1x512x128xf32>
    %get3A_3 = vector.shape_cast %get3A_2 : vector<1x512x128xf32> to vector<512x128xf32>
    %get3A_4 = arith.constant 0 : index
    %get3A_5 = arith.constant 0 : index
    %get3A_6 = vector.load %arg4[%get3A_4, %get3A_5] : memref<128x128xf32, #tpu.memory_space<vmem>>, vector<128x128xf32>
    %dot_general3A = arith.constant dense<0.000000e+00> : vector<512x128xf32>
    %dot_general3A_7 = tpu.matmul %get3A_3, %get3A_6, %dot_general3A {dimension_numbers = #tpu.dot_dimension_numbers<[1], [0], [0], [1], [0, 0, 1, 1], [], []>, transpose_lhs_hint = false} : vector<512x128xf32>, vector<128x128xf32>, vector<512x128xf32> -> vector<512x128xf32>
    %get3A_8 = arith.constant 0 : index
    %get3A_9 = arith.constant 0 : index
    %get3A_10 = vector.load %arg5[%get3A_8, %get3A_9] : memref<1x128xf32, #tpu.memory_space<vmem>>, vector<1x128xf32>
    %add3A = vector.broadcast %get3A_10 : vector<1x128xf32> to vector<512x128xf32>
    %add3A_11 = arith.addf %dot_general3A_7, %add3A : vector<512x128xf32>
    %get3A_12 = arith.constant 0 : index
    %get3A_13 = arith.constant 0 : index
    %get3A_14 = vector.load %arg8[%get3A_12, %get3A_13] : memref<128x128xf32, #tpu.memory_space<vmem>>, vector<128x128xf32>
    %dot_general3A_15 = arith.constant dense<0.000000e+00> : vector<512x128xf32>
    %dot_general3A_16 = tpu.matmul %add3A_11, %get3A_14, %dot_general3A_15 {dimension_numbers = #tpu.dot_dimension_numbers<[1], [0], [0], [1], [0, 0, 1, 1], [], []>, transpose_lhs_hint = false} : vector<512x128xf32>, vector<128x128xf32>, vector<512x128xf32> -> vector<512x128xf32>
    %get3A_17 = arith.constant 0 : index
    %get3A_18 = arith.constant 0 : index
    %get3A_19 = vector.load %arg9[%get3A_17, %get3A_18] : memref<1x128xf32, #tpu.memory_space<vmem>>, vector<1x128xf32>
    %add3A_20 = vector.broadcast %get3A_19 : vector<1x128xf32> to vector<512x128xf32>
    %add3A_21 = arith.addf %dot_general3A_16, %add3A_20 : vector<512x128xf32>
    %get3A_22 = arith.constant 0 : index
    %get3A_23 = arith.constant 0 : index
    %get3A_24 = vector.load %arg6[%get3A_22, %get3A_23] : memref<128x128xf32, #tpu.memory_space<vmem>>, vector<128x128xf32>
    %dot_general3A_25 = arith.constant dense<0.000000e+00> : vector<512x128xf32>
    %dot_general3A_26 = tpu.matmul %add3A_11, %get3A_24, %dot_general3A_25 {dimension_numbers = #tpu.dot_dimension_numbers<[1], [0], [0], [1], [0, 0, 1, 1], [], []>, transpose_lhs_hint = false} : vector<512x128xf32>, vector<128x128xf32>, vector<512x128xf32> -> vector<512x128xf32>
    %get3A_27 = arith.constant 0 : index
    %get3A_28 = arith.constant 0 : index
    %get3A_29 = vector.load %arg7[%get3A_27, %get3A_28] : memref<1x128xf32, #tpu.memory_space<vmem>>, vector<1x128xf32>
    %add3A_30 = vector.broadcast %get3A_29 : vector<1x128xf32> to vector<512x128xf32>
    %add3A_31 = arith.addf %dot_general3A_26, %add3A_30 : vector<512x128xf32>
    %get3A_32 = arith.constant 0 : index
    %get3A_33 = arith.constant 0 : index
    %get3A_34 = arith.constant 0 : index
    %get3A_35 = vector.load %arg3[%get3A_32, %get3A_33, %get3A_34] : memref<1x512x16xf32, #tpu.memory_space<vmem>>, vector<1x512x16xf32>
    %get3A_36 = vector.shape_cast %get3A_35 : vector<1x512x16xf32> to vector<512x16xf32>
    %get3A_37 = arith.constant 0 : index
    %get3A_38 = arith.constant 0 : index
    %get3A_39 = vector.load %arg12[%get3A_37, %get3A_38] : memref<16x128xf32, #tpu.memory_space<vmem>>, vector<16x128xf32>
    %dot_general3A_40 = arith.constant dense<0.000000e+00> : vector<512x128xf32>
    %dot_general3A_41 = tpu.matmul %get3A_36, %get3A_39, %dot_general3A_40 {dimension_numbers = #tpu.dot_dimension_numbers<[1], [0], [0], [1], [0, 0, 1, 1], [], []>, transpose_lhs_hint = false} : vector<512x16xf32>, vector<16x128xf32>, vector<512x128xf32> -> vector<512x128xf32>
    %bitcast_convert_type3A = tpu.bitcast %add3A_21 : vector<512x128xf32> -> vector<512x128xi32>
    %add3A_42 = arith.constant 32768 : i32
    %add3A_43 = vector.broadcast %add3A_42 : i32 to vector<512x128xi32>
    %add3A_44 = arith.addi %bitcast_convert_type3A, %add3A_43 : vector<512x128xi32>
    %and3A = arith.constant -65536 : i32
    %and3A_45 = vector.broadcast %and3A : i32 to vector<512x128xi32>
    %and3A_46 = arith.andi %add3A_44, %and3A_45 : vector<512x128xi32>
    %bitcast_convert_type3A_47 = tpu.bitcast %add3A_31 : vector<512x128xf32> -> vector<512x128xi32>
    %add3A_48 = arith.constant 32768 : i32
    %add3A_49 = vector.broadcast %add3A_48 : i32 to vector<512x128xi32>
    %add3A_50 = arith.addi %bitcast_convert_type3A_47, %add3A_49 : vector<512x128xi32>
    %shift_right_logical3A = arith.constant 16 : i32
    %shift_right_logical3A_51 = vector.broadcast %shift_right_logical3A : i32 to vector<512x128xi32>
    %shift_right_logical3A_52 = arith.shrui %add3A_50, %shift_right_logical3A_51 : vector<512x128xi32>
    %and3A_53 = arith.constant 65535 : i32
    %and3A_54 = vector.broadcast %and3A_53 : i32 to vector<512x128xi32>
    %and3A_55 = arith.andi %shift_right_logical3A_52, %and3A_54 : vector<512x128xi32>
    %bitcast_convert_type3A_56 = tpu.bitcast %dot_general3A_41 : vector<512x128xf32> -> vector<512x128xi32>
    %add3A_57 = arith.constant 32768 : i32
    %add3A_58 = vector.broadcast %add3A_57 : i32 to vector<512x128xi32>
    %add3A_59 = arith.addi %bitcast_convert_type3A_56, %add3A_58 : vector<512x128xi32>
    %and3A_60 = arith.constant -65536 : i32
    %and3A_61 = vector.broadcast %and3A_60 : i32 to vector<512x128xi32>
    %and3A_62 = arith.andi %add3A_59, %and3A_61 : vector<512x128xi32>
    %or3A = arith.ori %and3A_46, %and3A_55 : vector<512x128xi32>
    %bitcast_convert_type3A_63 = tpu.bitcast %or3A : vector<512x128xi32> -> vector<512x128xf32>
    %swap3A = arith.constant 0 : index
    %swap3A_64 = arith.constant 0 : index
    %swap3A_65 = arith.constant 0 : index
    %swap3A_66 = vector.load %arg13[%swap3A, %swap3A_64, %swap3A_65] : memref<1x512x256xf32, #tpu.memory_space<vmem>>, vector<1x512x128xf32>
    %swap3A_67 = vector.shape_cast %swap3A_66 : vector<1x512x128xf32> to vector<512x128xf32>
    %swap3A_68 = vector.shape_cast %bitcast_convert_type3A_63 : vector<512x128xf32> to vector<1x512x128xf32>
    tpu.vector_store %arg13[%swap3A, %swap3A_64, %swap3A_65], %swap3A_68 {strides = array<i32>} : memref<1x512x256xf32, #tpu.memory_space<vmem>>, vector<1x512x128xf32>,
    %bitcast_convert_type3A_69 = tpu.bitcast %and3A_62 : vector<512x128xi32> -> vector<512x128xf32>
    %swap3A_70 = arith.constant 0 : index
    %swap3A_71 = arith.constant 0 : index
    %swap3A_72 = arith.constant 128 : index
    %swap3A_73 = vector.load %arg13[%swap3A_70, %swap3A_71, %swap3A_72] : memref<1x512x256xf32, #tpu.memory_space<vmem>>, vector<1x512x128xf32>
    %swap3A_74 = vector.shape_cast %swap3A_73 : vector<1x512x128xf32> to vector<512x128xf32>
    %swap3A_75 = vector.shape_cast %bitcast_convert_type3A_69 : vector<512x128xf32> to vector<1x512x128xf32>
    tpu.vector_store %arg13[%swap3A_70, %swap3A_71, %swap3A_72], %swap3A_75 {strides = array<i32>} : memref<1x512x256xf32, #tpu.memory_space<vmem>>, vector<1x512x128xf32>,
    %get3A_76 = arith.constant 0 : index
    %get3A_77 = arith.constant 0 : index
    %get3A_78 = vector.load %arg10[%get3A_76, %get3A_77] : memref<128x128xf32, #tpu.memory_space<vmem>>, vector<128x128xf32>
    %dot_general3A_79 = arith.constant dense<0.000000e+00> : vector<512x128xf32>
    %dot_general3A_80 = tpu.matmul %add3A_11, %get3A_78, %dot_general3A_79 {dimension_numbers = #tpu.dot_dimension_numbers<[1], [0], [0], [1], [0, 0, 1, 1], [], []>, transpose_lhs_hint = false} : vector<512x128xf32>, vector<128x128xf32>, vector<512x128xf32> -> vector<512x128xf32>
    %get3A_81 = arith.constant 0 : index
    %get3A_82 = arith.constant 0 : index
    %get3A_83 = vector.load %arg11[%get3A_81, %get3A_82] : memref<1x128xf32, #tpu.memory_space<vmem>>, vector<1x128xf32>
    %add3A_84 = vector.broadcast %get3A_83 : vector<1x128xf32> to vector<512x128xf32>
    %add3A_85 = arith.addf %dot_general3A_80, %add3A_84 : vector<512x128xf32>
    %swap3A_86 = arith.constant 0 : index
    %swap3A_87 = arith.constant 0 : index
    %swap3A_88 = arith.constant 0 : index
    %swap3A_89 = vector.load %arg14[%swap3A_86, %swap3A_87, %swap3A_88] : memref<1x512x128xf32, #tpu.memory_space<vmem>>, vector<1x512x128xf32>
    %swap3A_90 = vector.shape_cast %swap3A_89 : vector<1x512x128xf32> to vector<512x128xf32>
    %swap3A_91 = vector.shape_cast %add3A_85 : vector<512x128xf32> to vector<1x512x128xf32>
    tpu.vector_store %arg14[%swap3A_86, %swap3A_87, %swap3A_88], %swap3A_91 {strides = array<i32>} : memref<1x512x128xf32, #tpu.memory_space<vmem>>, vector<1x512x128xf32>,
    %swap3A_92 = arith.constant 0 : index
    %swap3A_93 = arith.constant 0 : index
    %swap3A_94 = arith.constant 0 : index
    %swap3A_95 = vector.load %arg15[%swap3A_92, %swap3A_93, %swap3A_94] : memref<1x512x128xf32, #tpu.memory_space<vmem>>, vector<1x512x128xf32>
    %swap3A_96 = vector.shape_cast %swap3A_95 : vector<1x512x128xf32> to vector<512x128xf32>
    %swap3A_97 = vector.shape_cast %dot_general3A_41 : vector<512x128xf32> to vector<1x512x128xf32>
    tpu.vector_store %arg15[%swap3A_92, %swap3A_93, %swap3A_94], %swap3A_97 {strides = array<i32>} : memref<1x512x128xf32, #tpu.memory_space<vmem>>, vector<1x512x128xf32>,
    return
  }
  func.func @transform_0(%arg0: i32, %arg1: i32) -> (i32, i32, i32) {
    %c0_i32 = arith.constant 0 : i32
    %c0_i32_0 = arith.constant 0 : i32
    return %arg0, %arg1, %c0_i32 : i32, i32, i32
  }
  func.func @transform_1(%arg0: i32, %arg1: i32) -> (i32, i32, i32) {
    %c0_i32 = arith.constant 0 : i32
    %c0_i32_0 = arith.constant 0 : i32
    return %arg0, %arg1, %c0_i32 : i32, i32, i32
  }
  func.func @transform_2(%arg0: i32, %arg1: i32) -> (i32, i32) {
    %c0_i32 = arith.constant 0 : i32
    %c0_i32_0 = arith.constant 0 : i32
    %c0_i32_1 = arith.constant 0 : i32
    return %c0_i32, %c0_i32_0 : i32, i32
  }
  func.func @transform_3(%arg0: i32, %arg1: i32) -> (i32, i32) {
    %c0_i32 = arith.constant 0 : i32
    %c0_i32_0 = arith.constant 0 : i32
    %c0_i32_1 = arith.constant 0 : i32
    return %c0_i32, %c0_i32_0 : i32, i32
  }
  func.func @transform_4(%arg0: i32, %arg1: i32) -> (i32, i32) {
    %c0_i32 = arith.constant 0 : i32
    %c0_i32_0 = arith.constant 0 : i32
    %c0_i32_1 = arith.constant 0 : i32
    return %c0_i32, %c0_i32_0 : i32, i32
  }
  func.func @transform_5(%arg0: i32, %arg1: i32) -> (i32, i32) {
    %c0_i32 = arith.constant 0 : i32
    %c0_i32_0 = arith.constant 0 : i32
    %c0_i32_1 = arith.constant 0 : i32
    return %c0_i32, %c0_i32_0 : i32, i32
  }
  func.func @transform_6(%arg0: i32, %arg1: i32) -> (i32, i32) {
    %c0_i32 = arith.constant 0 : i32
    %c0_i32_0 = arith.constant 0 : i32
    %c0_i32_1 = arith.constant 0 : i32
    return %c0_i32, %c0_i32_0 : i32, i32
  }
  func.func @transform_7(%arg0: i32, %arg1: i32) -> (i32, i32) {
    %c0_i32 = arith.constant 0 : i32
    %c0_i32_0 = arith.constant 0 : i32
    %c0_i32_1 = arith.constant 0 : i32
    return %c0_i32, %c0_i32_0 : i32, i32
  }
  func.func @transform_8(%arg0: i32, %arg1: i32) -> (i32, i32) {
    %c0_i32 = arith.constant 0 : i32
    %c0_i32_0 = arith.constant 0 : i32
    %c0_i32_1 = arith.constant 0 : i32
    return %c0_i32, %c0_i32_0 : i32, i32
  }
  func.func @transform_9(%arg0: i32, %arg1: i32) -> (i32, i32) {
    %c0_i32 = arith.constant 0 : i32
    %c0_i32_0 = arith.constant 0 : i32
    %c0_i32_1 = arith.constant 0 : i32
    return %c0_i32, %c0_i32_0 : i32, i32
  }
  func.func @transform_10(%arg0: i32, %arg1: i32) -> (i32, i32) {
    %c0_i32 = arith.constant 0 : i32
    %c0_i32_0 = arith.constant 0 : i32
    %c0_i32_1 = arith.constant 0 : i32
    return %c0_i32, %c0_i32_0 : i32, i32
  }
  func.func @transform_11(%arg0: i32, %arg1: i32) -> (i32, i32, i32) {
    %c0_i32 = arith.constant 0 : i32
    %c0_i32_0 = arith.constant 0 : i32
    return %arg0, %arg1, %c0_i32 : i32, i32, i32
  }
  func.func @transform_12(%arg0: i32, %arg1: i32) -> (i32, i32, i32) {
    %c0_i32 = arith.constant 0 : i32
    %c0_i32_0 = arith.constant 0 : i32
    return %arg0, %arg1, %c0_i32 : i32, i32, i32
  }
  func.func @transform_13(%arg0: i32, %arg1: i32) -> (i32, i32, i32) {
    %c0_i32 = arith.constant 0 : i32
    %c0_i32_0 = arith.constant 0 : i32
    return %arg0, %arg1, %c0_i32 : i32, i32, i32
  }
}

module attributes {stable_mosaic.version = 14 : i64} {
  func.func @_k4_body(%arg0: i32, %arg1: i32, %arg2: memref<4096x256xf32, #tpu.memory_space<vmem>>, %arg3: memref<1x256x128xf32, #tpu.memory_space<vmem>>, %arg4: memref<1x256x128xf32, #tpu.memory_space<vmem>>, %arg5: memref<1x256x128xf32, #tpu.memory_space<vmem>>, %arg6: memref<1x128xf32, #tpu.memory_space<vmem>>, %arg7: memref<128x128xf32, #tpu.memory_space<vmem>>, %arg8: memref<128x128xf32, #tpu.memory_space<vmem>>, %arg9: memref<1x128xf32, #tpu.memory_space<vmem>>, %arg10: memref<1x256x128xf32, #tpu.memory_space<vmem>>) attributes {dimension_semantics = [#tpu.dimension_semantics<arbitrary>, #tpu.dimension_semantics<arbitrary>], iteration_bounds = array<i64: 1, 16>, scalar_prefetch = 0 : i64, scratch_operands = 0 : i64, tpu.core_type = #tpu.core_type<tc>, window_params = [{transform_indices = @transform_0, window_bounds = array<i64: 4096, 256>}, {transform_indices = @transform_1, window_bounds = array<i64: 1, 256, 128>}, {transform_indices = @transform_2, window_bounds = array<i64: 1, 256, 128>}, {transform_indices = @transform_3, window_bounds = array<i64: 1, 256, 128>}, {pipeline_mode = #tpu.pipeline_mode<synchronous>, transform_indices = @transform_4, window_bounds = array<i64: 1, 128>}, {pipeline_mode = #tpu.pipeline_mode<synchronous>, transform_indices = @transform_5, window_bounds = array<i64: 128, 128>}, {pipeline_mode = #tpu.pipeline_mode<synchronous>, transform_indices = @transform_6, window_bounds = array<i64: 128, 128>}, {pipeline_mode = #tpu.pipeline_mode<synchronous>, transform_indices = @transform_7, window_bounds = array<i64: 1, 128>}, {transform_indices = @transform_8, window_bounds = array<i64: 1, 256, 128>}]} {
    %get3A = arith.constant 0 : index
    %get3A_0 = arith.constant 0 : index
    %get3A_1 = vector.load %arg2[%get3A, %get3A_0] : memref<4096x256xf32, #tpu.memory_space<vmem>>, vector<4096x128xf32>
    %bitcast_convert_type3A = tpu.bitcast %get3A_1 : vector<4096x128xf32> -> vector<4096x128xi32>
    %and3A = arith.constant -65536 : i32
    %and3A_2 = vector.broadcast %and3A : i32 to vector<4096x128xi32>
    %and3A_3 = arith.andi %bitcast_convert_type3A, %and3A_2 : vector<4096x128xi32>
    %bitcast_convert_type3A_4 = tpu.bitcast %and3A_3 : vector<4096x128xi32> -> vector<4096x128xf32>
    %shift_left3A = arith.constant 16 : i32
    %shift_left3A_5 = vector.broadcast %shift_left3A : i32 to vector<4096x128xi32>
    %shift_left3A_6 = arith.shli %bitcast_convert_type3A, %shift_left3A_5 : vector<4096x128xi32>
    %bitcast_convert_type3A_7 = tpu.bitcast %shift_left3A_6 : vector<4096x128xi32> -> vector<4096x128xf32>
    %get3A_8 = arith.constant 0 : index
    %get3A_9 = arith.constant 128 : index
    %get3A_10 = vector.load %arg2[%get3A_8, %get3A_9] : memref<4096x256xf32, #tpu.memory_space<vmem>>, vector<4096x128xf32>
    %get3A_11 = arith.constant 0 : index
    %get3A_12 = arith.constant 0 : index
    %get3A_13 = arith.constant 0 : index
    %get3A_14 = vector.load %arg3[%get3A_11, %get3A_12, %get3A_13] : memref<1x256x128xf32, #tpu.memory_space<vmem>>, vector<1x256x128xf32>
    %get3A_15 = vector.shape_cast %get3A_14 : vector<1x256x128xf32> to vector<256x128xf32>
    %broadcast_in_dim3A = vector.shape_cast %get3A_15 : vector<256x128xf32> to vector<256x1x128xf32>
    %broadcast_in_dim3A_16 = vector.shape_cast %broadcast_in_dim3A : vector<256x1x128xf32> to vector<256x1x128xf32>
    %broadcast_in_dim3A_17 = vector.broadcast %broadcast_in_dim3A_16 : vector<256x1x128xf32> to vector<256x16x128xf32>
    %reshape3A = vector.shape_cast %broadcast_in_dim3A_17 : vector<256x16x128xf32> to vector<4096x128xf32>
    %sub3A = arith.subf %reshape3A, %get3A_10 : vector<4096x128xf32>
    %get3A_18 = arith.constant 0 : index
    %get3A_19 = arith.constant 0 : index
    %get3A_20 = vector.load %arg6[%get3A_18, %get3A_19] : memref<1x128xf32, #tpu.memory_space<vmem>>, vector<1x128xf32>
    %add3A = vector.broadcast %get3A_20 : vector<1x128xf32> to vector<4096x128xf32>
    %add3A_21 = arith.addf %sub3A, %add3A : vector<4096x128xf32>
    %max3A = arith.constant 0.000000e+00 : f32
    %max3A_22 = vector.broadcast %max3A : f32 to vector<4096x128xf32>
    %max3A_23 = arith.maximumf %add3A_21, %max3A_22 : vector<4096x128xf32>
    %get3A_24 = arith.constant 0 : index
    %get3A_25 = arith.constant 0 : index
    %get3A_26 = vector.load %arg7[%get3A_24, %get3A_25] : memref<128x128xf32, #tpu.memory_space<vmem>>, vector<128x128xf32>
    %dot_general3A = arith.constant dense<0.000000e+00> : vector<4096x128xf32>
    %dot_general3A_27 = tpu.matmul %max3A_23, %get3A_26, %dot_general3A {dimension_numbers = #tpu.dot_dimension_numbers<[1], [0], [0], [1], [0, 0, 1, 1], [], []>, transpose_lhs_hint = false} : vector<4096x128xf32>, vector<128x128xf32>, vector<4096x128xf32> -> vector<4096x128xf32>
    %get3A_28 = arith.constant 0 : index
    %get3A_29 = arith.constant 0 : index
    %get3A_30 = arith.constant 0 : index
    %get3A_31 = vector.load %arg4[%get3A_28, %get3A_29, %get3A_30] : memref<1x256x128xf32, #tpu.memory_space<vmem>>, vector<1x256x128xf32>
    %get3A_32 = vector.shape_cast %get3A_31 : vector<1x256x128xf32> to vector<256x128xf32>
    %broadcast_in_dim3A_33 = vector.shape_cast %get3A_32 : vector<256x128xf32> to vector<256x1x128xf32>
    %broadcast_in_dim3A_34 = vector.shape_cast %broadcast_in_dim3A_33 : vector<256x1x128xf32> to vector<256x1x128xf32>
    %broadcast_in_dim3A_35 = vector.broadcast %broadcast_in_dim3A_34 : vector<256x1x128xf32> to vector<256x16x128xf32>
    %reshape3A_36 = vector.shape_cast %broadcast_in_dim3A_35 : vector<256x16x128xf32> to vector<4096x128xf32>
    %sub3A_37 = arith.subf %reshape3A_36, %bitcast_convert_type3A_4 : vector<4096x128xf32>
    %add3A_38 = arith.addf %sub3A_37, %dot_general3A_27 : vector<4096x128xf32>
    %exp3A = math.exp %add3A_38 : vector<4096x128xf32>
    %reduce_sum3A = arith.constant dense<0.000000e+00> : vector<4096xf32>
    %reduce_sum3A_39 = vector.multi_reduction <add>, %exp3A, %reduce_sum3A [1] : vector<4096x128xf32> to vector<4096xf32>
    %broadcast_in_dim3A_40 = vector.shape_cast %reduce_sum3A_39 : vector<4096xf32> to vector<4096x1xf32>
    %div3A = vector.broadcast %broadcast_in_dim3A_40 : vector<4096x1xf32> to vector<4096x128xf32>
    %div3A_41 = arith.divf %exp3A, %div3A : vector<4096x128xf32>
    %add3A_42 = arith.addf %bitcast_convert_type3A_7, %max3A_23 : vector<4096x128xf32>
    %mul3A = arith.mulf %div3A_41, %add3A_42 : vector<4096x128xf32>
    %reshape3A_43 = vector.shape_cast %mul3A : vector<4096x128xf32> to vector<256x16x128xf32>
    %reduce_sum3A_44 = arith.constant dense<0.000000e+00> : vector<256x128xf32>
    %reduce_sum3A_45 = vector.multi_reduction <add>, %reshape3A_43, %reduce_sum3A_44 [1] : vector<256x16x128xf32> to vector<256x128xf32>
    %get3A_46 = arith.constant 0 : index
    %get3A_47 = arith.constant 0 : index
    %get3A_48 = vector.load %arg8[%get3A_46, %get3A_47] : memref<128x128xf32, #tpu.memory_space<vmem>>, vector<128x128xf32>
    %dot_general3A_49 = arith.constant dense<0.000000e+00> : vector<256x128xf32>
    %dot_general3A_50 = tpu.matmul %reduce_sum3A_45, %get3A_48, %dot_general3A_49 {dimension_numbers = #tpu.dot_dimension_numbers<[1], [0], [0], [1], [0, 0, 1, 1], [], []>, transpose_lhs_hint = false} : vector<256x128xf32>, vector<128x128xf32>, vector<256x128xf32> -> vector<256x128xf32>
    %get3A_51 = arith.constant 0 : index
    %get3A_52 = arith.constant 0 : index
    %get3A_53 = vector.load %arg9[%get3A_51, %get3A_52] : memref<1x128xf32, #tpu.memory_space<vmem>>, vector<1x128xf32>
    %add3A_54 = vector.broadcast %get3A_53 : vector<1x128xf32> to vector<256x128xf32>
    %add3A_55 = arith.addf %dot_general3A_50, %add3A_54 : vector<256x128xf32>
    %get3A_56 = arith.constant 0 : index
    %get3A_57 = arith.constant 0 : index
    %get3A_58 = arith.constant 0 : index
    %get3A_59 = vector.load %arg5[%get3A_56, %get3A_57, %get3A_58] : memref<1x256x128xf32, #tpu.memory_space<vmem>>, vector<1x256x128xf32>
    %get3A_60 = vector.shape_cast %get3A_59 : vector<1x256x128xf32> to vector<256x128xf32>
    %add3A_61 = arith.addf %add3A_55, %get3A_60 : vector<256x128xf32>
    %swap3A = arith.constant 0 : index
    %swap3A_62 = arith.constant 0 : index
    %swap3A_63 = arith.constant 0 : index
    %swap3A_64 = vector.load %arg10[%swap3A, %swap3A_62, %swap3A_63] : memref<1x256x128xf32, #tpu.memory_space<vmem>>, vector<1x256x128xf32>
    %swap3A_65 = vector.shape_cast %swap3A_64 : vector<1x256x128xf32> to vector<256x128xf32>
    %swap3A_66 = vector.shape_cast %add3A_61 : vector<256x128xf32> to vector<1x256x128xf32>
    tpu.vector_store %arg10[%swap3A, %swap3A_62, %swap3A_63], %swap3A_66 {strides = array<i32>} : memref<1x256x128xf32, #tpu.memory_space<vmem>>, vector<1x256x128xf32>,
    return
  }
  func.func @transform_0(%arg0: i32, %arg1: i32) -> (i32, i32) {
    %mul3A = arith.constant 16 : i32
    %mul3A_0 = arith.muli %arg0, %mul3A : i32
    %add3A = arith.addi %mul3A_0, %arg1 : i32
    %c0_i32 = arith.constant 0 : i32
    %c0_i32_1 = arith.constant 0 : i32
    return %add3A, %c0_i32 : i32, i32
  }
  func.func @transform_1(%arg0: i32, %arg1: i32) -> (i32, i32, i32) {
    %c0_i32 = arith.constant 0 : i32
    %c0_i32_0 = arith.constant 0 : i32
    return %arg0, %arg1, %c0_i32 : i32, i32, i32
  }
  func.func @transform_2(%arg0: i32, %arg1: i32) -> (i32, i32, i32) {
    %c0_i32 = arith.constant 0 : i32
    %c0_i32_0 = arith.constant 0 : i32
    return %arg0, %arg1, %c0_i32 : i32, i32, i32
  }
  func.func @transform_3(%arg0: i32, %arg1: i32) -> (i32, i32, i32) {
    %c0_i32 = arith.constant 0 : i32
    %c0_i32_0 = arith.constant 0 : i32
    return %arg0, %arg1, %c0_i32 : i32, i32, i32
  }
  func.func @transform_4(%arg0: i32, %arg1: i32) -> (i32, i32) {
    %c0_i32 = arith.constant 0 : i32
    %c0_i32_0 = arith.constant 0 : i32
    %c0_i32_1 = arith.constant 0 : i32
    return %c0_i32, %c0_i32_0 : i32, i32
  }
  func.func @transform_5(%arg0: i32, %arg1: i32) -> (i32, i32) {
    %c0_i32 = arith.constant 0 : i32
    %c0_i32_0 = arith.constant 0 : i32
    %c0_i32_1 = arith.constant 0 : i32
    return %c0_i32, %c0_i32_0 : i32, i32
  }
  func.func @transform_6(%arg0: i32, %arg1: i32) -> (i32, i32) {
    %c0_i32 = arith.constant 0 : i32
    %c0_i32_0 = arith.constant 0 : i32
    %c0_i32_1 = arith.constant 0 : i32
    return %c0_i32, %c0_i32_0 : i32, i32
  }
  func.func @transform_7(%arg0: i32, %arg1: i32) -> (i32, i32) {
    %c0_i32 = arith.constant 0 : i32
    %c0_i32_0 = arith.constant 0 : i32
    %c0_i32_1 = arith.constant 0 : i32
    return %c0_i32, %c0_i32_0 : i32, i32
  }
  func.func @transform_8(%arg0: i32, %arg1: i32) -> (i32, i32, i32) {
    %c0_i32 = arith.constant 0 : i32
    %c0_i32_0 = arith.constant 0 : i32
    return %arg0, %arg1, %c0_i32 : i32, i32, i32
  }
}

</mosaic_0001>

<sc_bundles>
// kernel: kernel.12.cloned.1.call-start
scs
__scs_entry_jumppad:
0x0: {  	(pc) =	sbr.rel $0x88, $3  }
0x1: {  	(tag) =	ssettag $0x0;
	lr =	simm.s32 $0x1  }
0x2: {  	[smem:$0x3F8F] =	sst lr;
	_ =	strace $0xD0000000  }
0x3: {  	_ = 	snop  }
0x4: {  	_ = 	snop  }
0x5: {  	_ = 	snop  }
0x6: {  	_ = 	snop  }
0x7: {  	_ = 	snop  }
__scs_overlays_trampoline_lowered:
0x8: {  	[smem:$0x3F9E] =	sst s0  }
0x9: {  	[smem:$0x3F9F] =	sst s1  }
0xa: {  	[smem:$0x3FA0] =	sst s2  }
0xb: {  	[smem:$0x3FA1] =	sst s3  }
0xc: {  	[smem:$0x3FA2] =	sst s4  }
0xd: {  	[smem:$0x3FA3] =	sst s5  }
0xe: {  	[smem:$0x3FA4] =	sst s6  }
0xf: {  	[smem:$0x3FA5] =	sst s7  }
0x10: {  	[smem:$0x3FA6] =	sst s8  }
0x11: {  	[smem:$0x3FA7] =	sst s9;
	s0 =	simm.s32 @!p0 $0x0  }
0x12: {  	s1 =	sld [smem:$0x3F8D];
	s0 =	simm.s32 @p0 $0x1  }
0x13: {  	[smem:$0x3FA8] =	sst s0;
	s0 =	simm.s32 @!p1 $0x0  }
0x14: {  	s2 =	sld [smem:$0x3F8C];
	s0 =	simm.s32 @p1 $0x1  }
0x15: {  	[smem:$0x3FA9] =	sst s0;
	s0 =	simm.s32 @!p2 $0x0  }
0x16: {  	s3 =	sld [smem:$0x3FDB];
	s0 =	simm.s32 @p2 $0x1  }
0x17: {  	s4 =	simm.s32 $0x1BF5;
	[smem:$0x3FAB] =	sst s0  }
0x18: {  	s0 =	sld [smem:$0x3F8E];
	_ =	swait.ge [sflag:s4], $0x0  }
0x19: {  	s7 =	sld [smem:$0x3F8F]  }
0x1a: {  	s8 =	sadd.s32 $0xFFFFE003, lr  }
0x1b: {  	s9 =	sadd.s32 $0xFFFFFEF7, lr;
	s5 =	simm.s32 $0xFFFFFFFF;
	p2 =	slt.u32 s8, $0xFFFFF086  }
0x1c: {  	p1 =	slt.u32 s9, $0xF7A;
	s5 =	simm.s32 @!p2 $0x0  }
0x1d: {  	s5 =	simm.s32 @p1 $0x1;
	p0 =	seq.s32 s7, s2  }
0x1e: {  	s7 =	smul.u32 @!p0 $0xF7A, s2;
	p2 =	seq.s32 @!p0 s5, $0x0  }
0x1f: {  	s9 =	smul.u32 $0xF7A, s1;
	s8 =	simm.s32 @!p0 $0x1BF5;
	p2 =	por !p2, p0  }
0x20: {  	[sflag:s8] =	ssyncset.s32 @!p0 $0xFFFFF086;
	s6 =	sadd.s32 @!p0 s3, s7;
	s7 =	simm.s32 @!p0 $0x108  }
0x21: {  	s3 =	sadd.s32 s3, s9;
	s6 =	sadd.s32 @!p0 $0x88, s6;
	s7 =	simm.s32 @p2 $0x1082  }
0x22: {  	[simem:s7], [sflag:s8] =	dma.local @!p0 [hbm:s6], $0xF7A  }
0x23: {  	s9 =	sor.u32 $0xD0000000, s2;
	s6 =	simm.s32 $0x108;
	_ =	swait.ge @!p0 [sflag:s8], $0x0  }
0x24: {  	s3 =	sadd.s32 $0x88, s3;
	s6 =	simm.s32 @!p1 $0x1082;
	[sflag:s4] =	ssyncset.s32 $0xFFFFF086  }
0x25: {  	[simem:s6], [sflag:s4] =	dma.local [hbm:s3], $0xF7A  }
0x26: {  	[smem:$0x3F8F] =	sst s1;
	(tag) =	ssettag s2;
	_ =	strace s9  }
0x27: {  	s1 =	sld [smem:$0x3F9F]  }
0x28: {  	s2 =	sld [smem:$0x3FA0]  }
0x29: {  	s4 =	sld [smem:$0x3FA2]  }
0x2a: {  	p0 =	seq.s32 s5, $0x0;
	s5 =	sld [smem:$0x3FA3]  }
0x2b: {  	s6 =	sld [smem:$0x3FA4]  }
0x2c: {  	s7 =	sld [smem:$0x3FA5]  }
0x2d: {  	s3 =	simm.s32 $0x108;
	s8 =	sld [smem:$0x3FA6]  }
0x2e: {  	s3 =	simm.s32 @!p0 $0x1082;
	s9 =	sld [smem:$0x3FA7]  }
0x2f: {  	lr =	sadd.s32 s0, s3;
	s0 =	sld [smem:$0x3F9E]  }
0x30: {  	s3 =	sld [smem:$0x3FA1]  }
0x31: {  	[smem:$0x3FAA] =	sst s10  }
0x32: {  	s10 =	sld [smem:$0x3FA8];
	_ =	sdelay $0x3  }
0x33: {  	p0 =	seq.s32 s10, $0x1;
	s10 =	sld [smem:$0x3FAA];
	_ =	sdelay $0x3  }
0x34: {  	[smem:$0x3FAA] =	sst s10  }
0x35: {  	s10 =	sld [smem:$0x3FA9];
	_ =	sdelay $0x3  }
0x36: {  	p1 =	seq.s32 s10, $0x1;
	s10 =	sld [smem:$0x3FAA];
	_ =	sdelay $0x3  }
0x37: {  	[smem:$0x3FAA] =	sst s10  }
0x38: {  	s10 =	sld [smem:$0x3FAB]  }
0x39: {  	_ = 	snop;
	(pc) =	sbr.ind lr, $3  }
0x3a: {  	_ = 	snop  }
0x3b: {  	_ = 	snop  }
0x3c: {  	p2 =	seq.s32 s10, $0x1;
	s10 =	sld [smem:$0x3FAA]  }
0x3d: {  	_ =	shalt  }
0x3e: {  	_ =	shalt  }
0x3f: {  	_ =	shalt  }
0x40: {  	_ =	shalt  }
0x41: {  	_ =	shalt  }
0x42: {  	_ =	shalt  }
0x43: {  	_ =	shalt  }
0x44: {  	_ =	shalt  }
0x45: {  	_ =	shalt  }
0x46: {  	_ =	shalt  }
0x47: {  	_ =	shalt  }
0x48: {  	_ =	shalt  }
0x49: {  	_ =	shalt  }
0x4a: {  	_ =	shalt  }
0x4b: {  	_ =	shalt  }
0x4c: {  	_ =	shalt  }
0x4d: {  	_ =	shalt  }
0x4e: {  	_ =	shalt  }
0x4f: {  	_ =	shalt  }
0x50: {  	_ =	shalt  }
0x51: {  	_ =	shalt  }
0x52: {  	_ =	shalt  }
0x53: {  	_ =	shalt  }
0x54: {  	_ =	shalt  }
0x55: {  	_ =	shalt  }
0x56: {  	_ =	shalt  }
0x57: {  	_ =	shalt  }
0x58: {  	_ =	shalt  }
0x59: {  	_ =	shalt  }
0x5a: {  	_ =	shalt  }
0x5b: {  	_ =	shalt  }
0x5c: {  	_ =	shalt  }
0x5d: {  	_ =	shalt  }
0x5e: {  	_ =	shalt  }
0x5f: {  	_ =	shalt  }
0x60: {  	_ =	shalt  }
0x61: {  	_ =	shalt  }
0x62: {  	_ =	shalt  }
0x63: {  	_ =	shalt  }
0x64: {  	_ =	shalt  }
0x65: {  	_ =	shalt  }
0x66: {  	_ =	shalt  }
0x67: {  	_ =	shalt  }
0x68: {  	_ =	shalt  }
0x69: {  	_ =	shalt  }
0x6a: {  	_ =	shalt  }
0x6b: {  	_ =	shalt  }
0x6c: {  	_ =	shalt  }
0x6d: {  	_ =	shalt  }
0x6e: {  	_ =	shalt  }
0x6f: {  	_ =	shalt  }
0x70: {  	_ =	shalt  }
0x71: {  	_ =	shalt  }
0x72: {  	_ =	shalt  }
0x73: {  	_ =	shalt  }
0x74: {  	_ =	shalt  }
0x75: {  	_ =	shalt  }
0x76: {  	_ =	shalt  }
0x77: {  	_ =	shalt  }
0x78: {  	_ =	shalt  }
0x79: {  	_ =	shalt  }
0x7a: {  	_ =	shalt  }
0x7b: {  	_ =	shalt  }
0x7c: {  	_ =	shalt  }
0x7d: {  	_ =	shalt  }
0x7e: {  	_ =	shalt  }
0x7f: {  	_ =	shalt  }
0x80: {  	_ =	shalt  }
0x81: {  	_ =	shalt  }
0x82: {  	_ =	shalt  }
0x83: {  	_ =	shalt  }
0x84: {  	_ =	shalt  }
0x85: {  	_ =	shalt  }
0x86: {  	_ =	shalt  }
0x87: {  	_ =	shalt  }
.Lfunc_end0:
.L_simem_size_0:
called_computation.1_lowered:
.L_overlay_start_0:
0x88: {  	s2 =	sld [smem:$0x3FD9]  }
0x89: {  	s3 =	sld [smem:$0x3FFE];
	_ =	sdelay $0x1  }
0x8a: {  	s1 =	srdreg.scid  }
0x8b: {  	s0 =	sand.u32 $0x1, s1  }
0x8c: {  	s17 =	sshll.u32 s0, $0xA;
	s2 =	sadd.s32 s3, s2  }
0x8d: {  	s2 =	sadd.s32 s2, s17  }
0x8e: {  	[smem:$0x3FB6] =	sst s2  }
0x8f: {  	_ = 	snop  }
0x90: {  	(tm) =	ssettm $0x1  }
0x91: {  	s18 =	sld [smem:$0x3FFB];
	_ =	sdelay $0x3  }
0x92: {  	_ =	strace s18  }
0x93: {  	s2 =	sld [smem:$0x3FFC];
	_ =	sdelay $0x3  }
0x94: {  	_ =	strace s2  }
0x95: {  	s2 =	sld [smem:$0x3FFD];
	_ =	sdelay $0x3  }
0x96: {  	_ =	strace s2  }
0x97: {  	_ =	strace $0x8FFFFFFF  }
0x98: {  	s19 =	sld [smem:$0x3FDB];
	_ =	sdelay $0x1  }
0x99: {  	s20 =	simm.s32 $_scs_section_size  }
0x9a: {  	s4 =	simm.s32 $_size__tile_overlayer_lowered;
	s5 =	simm.s32 $_tile_overlayer_lowered  }
0x9b: {  	s6 =	simm.s32 $0x1BFF;
	s21 =	sshll.u32 s5, $0x1;
	s3 =	sadd.s32 s20, s19  }
0x9c: {  	s22 =	simm.s32 $0x0;
	s4 =	sshll.u32 s4, $0x1;
	s5 =	sadd.s32 s21, s3  }
0x9d: {  	[timem:s22], [sflag:s6] =	dma.local [hbm:s5], s4  }
0x9e: {  	_ =	swait.ge [sflag:s6], s4  }
0x9f: {  	s4 =	ssub.s32 $0x0, s4;
	[sflag:s6] =	ssyncset.done $0x0  }
0xa0: {  	[sflag:s6] =	ssyncadd.s32 s4;
	_ =	sdelay $0x1  }
0xa1: {  	s23 =	simm.s32 $0x1B8B  }
0xa2: {  	_ =	swait.ge [sflag:s23], $0x1  }
0xa3: {  	[sflag:s23] =	ssyncset.done $0x0  }
0xa4: {  	[sflag:s23] =	ssyncadd.s32 $0xFFFFFFFF  }
0xa5: {  	s4 =	sld [smem:$0x0]  }
0xa6: {  	s5 =	sand.u32 $0xFFFFFFFE, s1  }
0xa7: {  	p0 =	sne.s32 s1, s5  }
0xa8: {  	s5 =	sshll.u32 @p0 s5, $0xE  }
0xa9: {  	s5 =	sadd.s32 @p0 $0x11B8D, s5;
	s6 =	sshll.u32 @p0 s4, $0x11  }
0xaa: {  	s5 =	sor.u32 @p0 s6, s5  }
0xab: {  	[sflag:s5] =	ssyncadd.remote.s32 @p0 $0x1;
	_ =	sdelay $0x1  }
0xac: {  	s5 =	simm.s32 @p0 $0x1B8D  }
0xad: {  	_ =	swait.eq @p0 [sflag:s5], $0x1  }
0xae: {  	[sflag:s5] =	ssyncadd.s32 @p0 $0xFFFFFFFF  }
0xaf: {  	s6 =	sshll.u32 @!p0 s1, $0xE  }
0xb0: {  	s6 =	sor.u32 @!p0 $0x4000, s6;
	s5 =	simm.s32 @!p0 $0x1B8D  }
0xb1: {  	s4 =	sshll.u32 @!p0 s4, $0x11;
	s6 =	sadd.s32 @!p0 $0x11B8D, s6;
	_ =	swait.eq @!p0 [sflag:s5], $0x1  }
0xb2: {  	s4 =	sor.u32 @!p0 s4, s6;
	[sflag:s5] =	ssyncadd.s32 @!p0 $0xFFFFFFFF  }
0xb3: {  	s25 =	simm.s32 $0x1B8E;
	s24 =	sld [smem:$0x3FFE];
	[sflag:s4] =	ssyncadd.remote.s32 @!p0 $0x1  }
0xb4: {  	s26 =	simm.s32 $execute0_lowered;
	[smem:$0x3FD2] =	sst s25  }
0xb5: {  	s5 =	sshll.u32 s26, $0x1;
	_ =	strace $0x80000049;
	[dreg:$0x1] =	wrdreg $0xFFFFFFFF  }
0xb6: {  	s28 =	simm.s32 $_size_execute0_lowered;
	s3 =	sadd.s32 s3, s5;
	[dreg:$0x0] =	wrdreg $0x0  }
0xb7: {  	s5 =	sshll.u32 s28, $0x1;
	[dreg:$0x2] =	wrdreg s3  }
0xb8: {  	[dreg:$0x3] =	wrdreg s5  }
0xb9: {  	[dreg:$0x4] =	wrdreg $0xC0  }
0xba: {  	_ =	task [dreg:s22], $0x5FFFF  }
0xbb: {  	[dreg:$0x1] =	wrdreg $0xFFFFFFFF  }
0xbc: {  	[dreg:$0x0] =	wrdreg $0x60  }
0xbd: {  	[dreg:$0x2] =	wrdreg s24  }
0xbe: {  	[dreg:$0x3] =	wrdreg $0xA  }
0xbf: {  	_ =	task.clear_ibuf [dreg:s22], $0x4FFFF;
	_ =	strace $0x90000049  }
0xc0: {  	s29 =	simm.s32 $0xA;
	_ =	strace $0x8000004B  }
0xc1: {  	_ =	swait.ge [sflag:s29], $0x1  }
0xc2: {  	[sflag:s29] =	ssyncadd.s32 $0xFFFFFFFF  }
0xc3: {  	_ =	strace $0x9000004B  }
0xc4: {  	_ =	sfence  }
0xc5: {  	s30 =	sld [smem:$0x0];
	_ =	sdelay $0x2  }
0xc6: {  	s31 =	sshll.u32 s1, $0xD;
	s1 =	sshrl.u32 s1, $0x2  }
0xc7: {  	s4 =	sand.u32 $0x4000, s31;
	s1 =	sadd.s32 s1, s30  }
0xc8: {  	s0 =	sor.u32 s4, s0;
	s1 =	sshll.u32 s1, $0x11  }
0xc9: {  	s0 =	sor.u32 s1, s0  }
0xca: {  	s0 =	sadd.s32 $0x8F2B, s0  }
0xcb: {  	[sflag:s0] =	ssyncadd.remote.s32 $0x1  }
0xcc: {  	_ =	sfence.sel $0xFFFF  }
0xcd: {  	[dreg:$0x0] =	wrdreg $0xFFFFFFFF;
	(pc) =	sbr.abs _section_cstart, $3  }
0xce: {  	[dreg:$0x1] =	wrdreg $0xFFFFFFFF  }
0xcf: {  	_ =	task.clear_ibuf [dreg:s22], $0x2FFFF;
	_ =	strace $0x9FFFFFFF  }
0xd0: {  	(tm) =	ssettm $0x7FFFFFFF  }
0xd1: {  	_ =	shalt  }
tec
execute0_lowered:
.L_overlay_start_1:
0x0: {  	(tag) =	ssettag $0x1  }
0x1: {  	s0 =	rddreg [dreg:$0x0]  }
0x2: {  	s1 =	simm.s32 $0x0;
	s2 =	srdreg.scid;
	s8 =	stileid.u32  }
0x3: {  	s10 =	simm.s32 $0x100;
	s28 =	simm.s32 $0x8100;
	s29 =	simm.s32 $0x8900  }
0x4: {  	s30 =	simm.s32 $0x9100;
	s31 =	simm.s32 $0x9900;
	s11 =	simm.s32 $0xD100  }
0x5: {  	s12 =	simm.s32 $0xD900;
	s13 =	simm.s32 $0xE100;
	s14 =	simm.s32 $0xE900  }
0x6: {  	s15 =	simm.s32 $0xF100;
	s16 =	simm.s32 $0xF900;
	s17 =	simm.s32 $0x1  }
0x7: {  	s18 =	simm.s32 $0x2;
	s20 =	simm.s32 $0x0;
	[smem:$0x7FF] =	sst s1  }
0x8: {  	s3 =	sadd.s32 $0x86800, s0;
	s4 =	sadd.s32 $0x6800, s0;
	s2 =	sand.u32 $0x1, s2  }
0x9: {  	s6 =	sshll.u32 s8, $0xC;
	s8 =	sshll.u32 s8, $0x11;
	_ =	strace $0x8000004A  }
0xa: {  	s5 =	ssub.s32 $0x2, s2;
	s7 =	sshll.u32 s2, $0xB;
	s0 =	sadd.s32 s8, s0  }
0xb: {  	s2 =	sshll.u32 s2, $0x10;
	s8 =	simm.s32 $0xC900;
	s9 =	sshrl.u32 s5, $0x1  }
0xc: {  	s6 =	sor.u32 s7, s6;
	s0 =	sadd.s32 s2, s0;
	s2 =	simm.s32 $0xA900  }
0xd: {  	s5 =	ssub.s32 s5, s9;
	s7 =	sshrl.u32 s6, $0x3;
	s22 =	sor.u32 $0x80, s6  }
0xe: {  	s23 =	sor.u32 $0x100, s6;
	s6 =	sadd.s32 $0x2A6800, s0;
	s9 =	simm.s32 $0x3  }
0xf: {  	s7 =	sadd.s32 s4, s7;
	s5 =	smax.u32 s5, $0x1;
	s24 =	sshrl.u32 s22, $0x3  }
.Ltmp0:
0x10: {  	s25 =	sshrl.u32 s23, $0x3;
	[dreg:$0x2] =	wrdreg s7;
	(pc) =	sbr.rel .LBB2_1-.Ltmp0, $4  }
0x11: {  	[dreg:$0x3] =	wrdreg s5;
	s0 =	sadd.s32 s24, s4;
	s26 =	sadd.s32 s25, s4  }
0x12: {  	v2 =	vlaneseq.u32;
	s24 =	simm.s32 $0x7100;
	s25 =	simm.s32 $0x7900;
	s4 =	simm.s32 $0xB100  }
0x13: {  	vm0 =	vmmov $0xffff;
	v1 =	vshrl.u32 v2, $0x3;
	s5 =	simm.s32 $0xB900;
	s7 =	simm.s32 $0xC100;
	[dreg:$0x4] =	wrdreg s0  }
0x14: {  	v0 =	vand.u32 $0x7, v2;
	v2 =	vor.u32 $0x8, v2;
	v1 =	vmul.u32 $0x8, v1;
	[dreg:$0x5] =	wrdreg s26;
	s26 =	simm.s32 $0x80;
	s0 =	simm.s32 $0xA100  }
.LBB2_5:
0x15: {  	s20 =	rddreg [dreg:$0x6]  }
0x16: {  	s19 =	rddreg [dreg:$0x3];
	s20 =	sadd.s32 $0x1, s20  }
0x17: {  	p0 =	sne.s32 s20, s19  }
.Ltmp1:
0x18: {  	_ = 	snop;
	(pc) =	sbr.rel @!p0 .LBB2_6-.Ltmp1, $1  }
0x19: {  	_ =	sdelay $0x3  }
.LBB2_1:
0x1a: {  	[dreg:$0x6] =	wrdreg s20  }
0x1b: {  	s19 =	rddreg [dreg:$0x2]  }
0x1c: {  	[tilespmem:s1], [sflag:$0x3] =	stream.linear.gather [hbm4b:s19+s1], $0x80, $0x38;
	[tilespmem:$0x10100] =	vst v63  }
0x1d: {  	_ =	swait.ge [sflag:s9], $0x80  }
0x1e: {  	[sflag:s9] =	ssyncset.done $0x0  }
0x1f: {  	[sflag:s9] =	ssyncadd.s32 $0xFFFFFF80  }
0x20: {  	v3 =	vld [tilespmem:$0x0];
	_ =	sdelay $0x4  }
0x21: {  	v4 =	vshll.u32 v3, $0x1  }
0x22: {  	v3 =	vand.u32 $0x7, v3;
	v4 =	vand.u32 $0xFFFFFFF0, v4  }
0x23: {  	v3 =	vor.u32 v3, v4  }
0x24: {  	v4 =	vperm.xlane v3, v0;
	_ =	sdelay $0x1  }
0x25: {  	v3 =	vperm.xlane v3, v2;
	v4 =	vadd.s32 v1, v4;
	_ =	sdelay $0x1  }
0x26: {  	v3 =	vadd.s32 v1, v3;
	_ =	sdelay $0x2  }
0x27: {  	[tilespmem:s10], [sflag:$0x1] =	stream.indirect_vreg.gather [hbm4b:s3+s1], $0x80, v4, vm0, $0xb8;
	[tilespmem:$0x10100] =	vst v63  }
0x28: {  	s23 =	simm.s32 $0x900  }
0x29: {  	[tilespmem:s23], [sflag:$0x1] =	stream.indirect_vreg.gather [hbm4b:s3+s1], $0x80, v3, vm0, $0xb8;
	[tilespmem:$0x10100] =	vst v63  }
0x2a: {  	v3 =	vld [tilespmem:$0x10];
	_ =	sdelay $0x4  }
0x2b: {  	v57 =	vshll.u32 v3, $0x1  }
0x2c: {  	v3 =	vand.u32 $0x7, v3;
	v4 =	vand.u32 $0xFFFFFFF0, v57  }
0x2d: {  	v3 =	vor.u32 v3, v4  }
0x2e: {  	v4 =	vperm.xlane v3, v0;
	_ =	sdelay $0x1  }
0x2f: {  	v3 =	vperm.xlane v3, v2;
	v4 =	vadd.s32 v1, v4;
	_ =	sdelay $0x1  }
0x30: {  	v3 =	vadd.s32 v1, v3;
	_ =	sdelay $0x1  }
0x31: {  	s20 =	simm.s32 $0x1100  }
0x32: {  	[tilespmem:s20], [sflag:$0x1] =	stream.indirect_vreg.gather [hbm4b:s3+s1], $0x80, v4, vm0, $0xb8;
	[tilespmem:$0x10100] =	vst v63  }
0x33: {  	s21 =	simm.s32 $0x1900  }
0x34: {  	[tilespmem:s21], [sflag:$0x1] =	stream.indirect_vreg.gather [hbm4b:s3+s1], $0x80, v3, vm0, $0xb8;
	[tilespmem:$0x10100] =	vst v63  }
0x35: {  	v3 =	vld [tilespmem:$0x20];
	_ =	sdelay $0x4  }
0x36: {  	v58 =	vshll.u32 v3, $0x1  }
0x37: {  	v3 =	vand.u32 $0x7, v3;
	v4 =	vand.u32 $0xFFFFFFF0, v58  }
0x38: {  	v3 =	vor.u32 v3, v4  }
0x39: {  	v4 =	vperm.xlane v3, v0;
	_ =	sdelay $0x1  }
0x3a: {  	v3 =	vperm.xlane v3, v2;
	v4 =	vadd.s32 v1, v4;
	_ =	sdelay $0x1  }
0x3b: {  	v3 =	vadd.s32 v1, v3;
	_ =	sdelay $0x1  }
0x3c: {  	s22 =	simm.s32 $0x2100  }
0x3d: {  	[tilespmem:s22], [sflag:$0x1] =	stream.indirect_vreg.gather [hbm4b:s3+s1], $0x80, v4, vm0, $0xb8;
	[tilespmem:$0x10100] =	vst v63  }
0x3e: {  	s23 =	simm.s32 $0x2900  }
0x3f: {  	[tilespmem:s23], [sflag:$0x1] =	stream.indirect_vreg.gather [hbm4b:s3+s1], $0x80, v3, vm0, $0xb8;
	[tilespmem:$0x10100] =	vst v63  }
0x40: {  	v3 =	vld [tilespmem:$0x30];
	_ =	sdelay $0x4  }
0x41: {  	v59 =	vshll.u32 v3, $0x1  }
0x42: {  	v3 =	vand.u32 $0x7, v3;
	v4 =	vand.u32 $0xFFFFFFF0, v59  }
0x43: {  	v3 =	vor.u32 v3, v4  }
0x44: {  	v4 =	vperm.xlane v3, v0;
	_ =	sdelay $0x1  }
0x45: {  	v3 =	vperm.xlane v3, v2;
	v4 =	vadd.s32 v1, v4;
	_ =	sdelay $0x1  }
0x46: {  	v3 =	vadd.s32 v1, v3;
	_ =	sdelay $0x1  }
0x47: {  	s20 =	simm.s32 $0x3100  }
0x48: {  	[tilespmem:s20], [sflag:$0x1] =	stream.indirect_vreg.gather [hbm4b:s3+s1], $0x80, v4, vm0, $0xb8;
	[tilespmem:$0x10100] =	vst v63  }
0x49: {  	s21 =	simm.s32 $0x3900  }
0x4a: {  	[tilespmem:s21], [sflag:$0x1] =	stream.indirect_vreg.gather [hbm4b:s3+s1], $0x80, v3, vm0, $0xb8;
	[tilespmem:$0x10100] =	vst v63  }
0x4b: {  	v3 =	vld [tilespmem:$0x40];
	_ =	sdelay $0x4  }
0x4c: {  	v60 =	vshll.u32 v3, $0x1  }
0x4d: {  	v3 =	vand.u32 $0x7, v3;
	v4 =	vand.u32 $0xFFFFFFF0, v60  }
0x4e: {  	v3 =	vor.u32 v3, v4  }
0x4f: {  	v4 =	vperm.xlane v3, v0;
	_ =	sdelay $0x1  }
0x50: {  	v3 =	vperm.xlane v3, v2;
	v4 =	vadd.s32 v1, v4;
	_ =	sdelay $0x1  }
0x51: {  	v3 =	vadd.s32 v1, v3;
	_ =	sdelay $0x1  }
0x52: {  	s22 =	simm.s32 $0x4100  }
0x53: {  	[tilespmem:s22], [sflag:$0x1] =	stream.indirect_vreg.gather [hbm4b:s3+s1], $0x80, v4, vm0, $0xb8;
	[tilespmem:$0x10100] =	vst v63  }
0x54: {  	s23 =	simm.s32 $0x4900  }
0x55: {  	[tilespmem:s23], [sflag:$0x1] =	stream.indirect_vreg.gather [hbm4b:s3+s1], $0x80, v3, vm0, $0xb8;
	[tilespmem:$0x10100] =	vst v63  }
0x56: {  	v3 =	vld [tilespmem:$0x50];
	_ =	sdelay $0x4  }
0x57: {  	v61 =	vshll.u32 v3, $0x1  }
0x58: {  	v3 =	vand.u32 $0x7, v3;
	v4 =	vand.u32 $0xFFFFFFF0, v61  }
0x59: {  	v3 =	vor.u32 v3, v4  }
0x5a: {  	v4 =	vperm.xlane v3, v0;
	_ =	sdelay $0x1  }
0x5b: {  	v3 =	vperm.xlane v3, v2;
	v4 =	vadd.s32 v1, v4;
	_ =	sdelay $0x1  }
0x5c: {  	v3 =	vadd.s32 v1, v3;
	_ =	sdelay $0x1  }
0x5d: {  	s20 =	simm.s32 $0x5100  }
0x5e: {  	[tilespmem:s20], [sflag:$0x1] =	stream.indirect_vreg.gather [hbm4b:s3+s1], $0x80, v4, vm0, $0xb8;
	[tilespmem:$0x10100] =	vst v63  }
0x5f: {  	s21 =	simm.s32 $0x5900  }
0x60: {  	[tilespmem:s21], [sflag:$0x1] =	stream.indirect_vreg.gather [hbm4b:s3+s1], $0x80, v3, vm0, $0xb8;
	[tilespmem:$0x10100] =	vst v63  }
0x61: {  	v3 =	vld [tilespmem:$0x60];
	_ =	sdelay $0x4  }
0x62: {  	v62 =	vshll.u32 v3, $0x1  }
0x63: {  	v3 =	vand.u32 $0x7, v3;
	v4 =	vand.u32 $0xFFFFFFF0, v62  }
0x64: {  	v3 =	vor.u32 v3, v4  }
0x65: {  	v4 =	vperm.xlane v3, v0;
	_ =	sdelay $0x1  }
0x66: {  	v3 =	vperm.xlane v3, v2;
	v4 =	vadd.s32 v1, v4;
	_ =	sdelay $0x1  }
0x67: {  	v3 =	vadd.s32 v1, v3;
	_ =	sdelay $0x1  }
0x68: {  	s22 =	simm.s32 $0x6100  }
0x69: {  	[tilespmem:s22], [sflag:$0x1] =	stream.indirect_vreg.gather [hbm4b:s3+s1], $0x80, v4, vm0, $0xb8;
	[tilespmem:$0x10100] =	vst v63  }
0x6a: {  	s23 =	simm.s32 $0x6900  }
0x6b: {  	[tilespmem:s23], [sflag:$0x1] =	stream.indirect_vreg.gather [hbm4b:s3+s1], $0x80, v3, vm0, $0xb8;
	[tilespmem:$0x10100] =	vst v63  }
0x6c: {  	v3 =	vld [tilespmem:$0x70];
	_ =	sdelay $0x4  }
0x6d: {  	v63 =	vshll.u32 v3, $0x1  }
0x6e: {  	v3 =	vand.u32 $0x7, v3;
	v4 =	vand.u32 $0xFFFFFFF0, v63  }
0x6f: {  	v3 =	vor.u32 v3, v4  }
0x70: {  	v4 =	vperm.xlane v3, v0;
	_ =	sdelay $0x1  }
0x71: {  	v3 =	vperm.xlane v3, v2;
	v4 =	vadd.s32 v1, v4;
	_ =	sdelay $0x1  }
0x72: {  	v3 =	vadd.s32 v1, v3  }
.Ltmp2:
0x73: {  	_ = 	snop;
	(pc) =	sbr.rel .LBB2_2-.Ltmp2, $4  }
0x74: {  	s19 =	rddreg [dreg:$0x5]  }
0x75: {  	[tilespmem:s24], [sflag:$0x1] =	stream.indirect_vreg.gather [hbm4b:s3+s1], $0x80, v4, vm0, $0xb8;
	[tilespmem:$0x10100] =	vst v63  }
0x76: {  	s20 =	rddreg [dreg:$0x4];
	s21 =	simm.s32 $0x0  }
0x77: {  	[tilespmem:s25], [sflag:$0x1] =	stream.indirect_vreg.gather [hbm4b:s3+s1], $0x80, v3, vm0, $0xb8;
	[tilespmem:$0x10100] =	vst v63  }
.LBB2_4:
0x78: {  	_ =	swait.ge [sflag:s18], $0x8000;
	s21 =	sadd.s32 $0x2000, s21  }
0x79: {  	[sflag:s18] =	ssyncset.done $0x0;
	p0 =	sne.s32 s21, $0x10000  }
.Ltmp3:
0x7a: {  	s22 =	sadd.s32 $0x1000, s22;
	[sflag:s18] =	ssyncadd.s32 $0xFFFF8000;
	(pc) =	sbr.rel @!p0 .LBB2_5-.Ltmp3, $4  }
0x7b: {  	[hbm4b:s22+s1] =	stream.linear.scatter [tilespmem:s28], [sflag:$0x3], $0x8000, $0x38;
	[tilespmem:$0x10100] =	vst v63  }
0x7c: {  	_ =	swait.ge [sflag:s9], $0x8000  }
0x7d: {  	[sflag:s9] =	ssyncset.done $0x0  }
0x7e: {  	s20 =	sadd.s32 $0x20, s20;
	s19 =	sadd.s32 $0x20, s19;
	[sflag:s9] =	ssyncadd.s32 $0xFFFF8000  }
.LBB2_2:
0x7f: {  	[tilespmem:s26], [sflag:$0x3] =	stream.linear.gather [hbm4b:s20+s1], $0x80, $0x38;
	[tilespmem:$0x10100] =	vst v63  }
0x80: {  	_ =	swait.ge [sflag:s9], $0x80  }
0x81: {  	[sflag:s9] =	ssyncset.done $0x0  }
0x82: {  	[sflag:s9] =	ssyncadd.s32 $0xFFFFFF80  }
0x83: {  	v3 =	vld [tilespmem:$0x80];
	_ =	sdelay $0x4  }
0x84: {  	v4 =	vshll.u32 v3, $0x1  }
0x85: {  	v3 =	vand.u32 $0x7, v3;
	v4 =	vand.u32 $0xFFFFFFF0, v4  }
0x86: {  	v3 =	vor.u32 v3, v4  }
0x87: {  	v4 =	vperm.xlane v3, v0;
	_ =	sdelay $0x1  }
0x88: {  	v3 =	vperm.xlane v3, v2;
	v4 =	vadd.s32 v1, v4;
	_ =	sdelay $0x1  }
0x89: {  	v3 =	vadd.s32 v1, v3;
	_ =	sdelay $0x2  }
0x8a: {  	[tilespmem:s28], [sflag:$0x2] =	stream.indirect_vreg.gather [hbm4b:s3+s1], $0x80, v4, vm0, $0xb8;
	[tilespmem:$0x10100] =	vst v63  }
0x8b: {  	_ = 	snop  }
0x8c: {  	[tilespmem:s29], [sflag:$0x2] =	stream.indirect_vreg.gather [hbm4b:s3+s1], $0x80, v3, vm0, $0xb8;
	[tilespmem:$0x10100] =	vst v63  }
0x8d: {  	v3 =	vld [tilespmem:$0x90];
	_ =	sdelay $0x4  }
0x8e: {  	v57 =	vshll.u32 v3, $0x1  }
0x8f: {  	v3 =	vand.u32 $0x7, v3;
	v4 =	vand.u32 $0xFFFFFFF0, v57  }
0x90: {  	v3 =	vor.u32 v3, v4  }
0x91: {  	v4 =	vperm.xlane v3, v0;
	_ =	sdelay $0x1  }
0x92: {  	v3 =	vperm.xlane v3, v2;
	v4 =	vadd.s32 v1, v4;
	_ =	sdelay $0x1  }
0x93: {  	v3 =	vadd.s32 v1, v3;
	_ =	sdelay $0x2  }
0x94: {  	[tilespmem:s30], [sflag:$0x2] =	stream.indirect_vreg.gather [hbm4b:s3+s1], $0x80, v4, vm0, $0xb8;
	[tilespmem:$0x10100] =	vst v63  }
0x95: {  	_ = 	snop  }
0x96: {  	[tilespmem:s31], [sflag:$0x2] =	stream.indirect_vreg.gather [hbm4b:s3+s1], $0x80, v3, vm0, $0xb8;
	[tilespmem:$0x10100] =	vst v63  }
0x97: {  	v3 =	vld [tilespmem:$0xA0];
	_ =	sdelay $0x4  }
0x98: {  	v58 =	vshll.u32 v3, $0x1  }
0x99: {  	v3 =	vand.u32 $0x7, v3;
	v4 =	vand.u32 $0xFFFFFFF0, v58  }
0x9a: {  	v3 =	vor.u32 v3, v4  }
0x9b: {  	v4 =	vperm.xlane v3, v0;
	_ =	sdelay $0x1  }
0x9c: {  	v3 =	vperm.xlane v3, v2;
	v4 =	vadd.s32 v1, v4;
	_ =	sdelay $0x1  }
0x9d: {  	v3 =	vadd.s32 v1, v3;
	_ =	sdelay $0x2  }
0x9e: {  	[tilespmem:s0], [sflag:$0x2] =	stream.indirect_vreg.gather [hbm4b:s3+s1], $0x80, v4, vm0, $0xb8;
	[tilespmem:$0x10100] =	vst v63  }
0x9f: {  	_ = 	snop  }
0xa0: {  	[tilespmem:s2], [sflag:$0x2] =	stream.indirect_vreg.gather [hbm4b:s3+s1], $0x80, v3, vm0, $0xb8;
	[tilespmem:$0x10100] =	vst v63  }
0xa1: {  	v3 =	vld [tilespmem:$0xB0];
	_ =	sdelay $0x4  }
0xa2: {  	v59 =	vshll.u32 v3, $0x1  }
0xa3: {  	v3 =	vand.u32 $0x7, v3;
	v4 =	vand.u32 $0xFFFFFFF0, v59  }
0xa4: {  	v3 =	vor.u32 v3, v4  }
0xa5: {  	v4 =	vperm.xlane v3, v0;
	_ =	sdelay $0x1  }
0xa6: {  	v3 =	vperm.xlane v3, v2;
	v4 =	vadd.s32 v1, v4;
	_ =	sdelay $0x1  }
0xa7: {  	v3 =	vadd.s32 v1, v3;
	_ =	sdelay $0x2  }
0xa8: {  	[tilespmem:s4], [sflag:$0x2] =	stream.indirect_vreg.gather [hbm4b:s3+s1], $0x80, v4, vm0, $0xb8;
	[tilespmem:$0x10100] =	vst v63  }
0xa9: {  	_ = 	snop  }
0xaa: {  	[tilespmem:s5], [sflag:$0x2] =	stream.indirect_vreg.gather [hbm4b:s3+s1], $0x80, v3, vm0, $0xb8;
	[tilespmem:$0x10100] =	vst v63  }
0xab: {  	v3 =	vld [tilespmem:$0xC0];
	_ =	sdelay $0x4  }
0xac: {  	v60 =	vshll.u32 v3, $0x1  }
0xad: {  	v3 =	vand.u32 $0x7, v3;
	v4 =	vand.u32 $0xFFFFFFF0, v60  }
0xae: {  	v3 =	vor.u32 v3, v4  }
0xaf: {  	v4 =	vperm.xlane v3, v0;
	_ =	sdelay $0x1  }
0xb0: {  	v3 =	vperm.xlane v3, v2;
	v4 =	vadd.s32 v1, v4;
	_ =	sdelay $0x1  }
0xb1: {  	v3 =	vadd.s32 v1, v3;
	_ =	sdelay $0x2  }
0xb2: {  	[tilespmem:s7], [sflag:$0x2] =	stream.indirect_vreg.gather [hbm4b:s3+s1], $0x80, v4, vm0, $0xb8;
	[tilespmem:$0x10100] =	vst v63  }
0xb3: {  	_ = 	snop  }
0xb4: {  	[tilespmem:s8], [sflag:$0x2] =	stream.indirect_vreg.gather [hbm4b:s3+s1], $0x80, v3, vm0, $0xb8;
	[tilespmem:$0x10100] =	vst v63  }
0xb5: {  	v3 =	vld [tilespmem:$0xD0];
	_ =	sdelay $0x4  }
0xb6: {  	v61 =	vshll.u32 v3, $0x1  }
0xb7: {  	v3 =	vand.u32 $0x7, v3;
	v4 =	vand.u32 $0xFFFFFFF0, v61  }
0xb8: {  	v3 =	vor.u32 v3, v4  }
0xb9: {  	v4 =	vperm.xlane v3, v0;
	_ =	sdelay $0x1  }
0xba: {  	v3 =	vperm.xlane v3, v2;
	v4 =	vadd.s32 v1, v4;
	_ =	sdelay $0x1  }
0xbb: {  	v3 =	vadd.s32 v1, v3;
	_ =	sdelay $0x2  }
0xbc: {  	[tilespmem:s11], [sflag:$0x2] =	stream.indirect_vreg.gather [hbm4b:s3+s1], $0x80, v4, vm0, $0xb8;
	[tilespmem:$0x10100] =	vst v63  }
0xbd: {  	_ = 	snop  }
0xbe: {  	[tilespmem:s12], [sflag:$0x2] =	stream.indirect_vreg.gather [hbm4b:s3+s1], $0x80, v3, vm0, $0xb8;
	[tilespmem:$0x10100] =	vst v63  }
0xbf: {  	v3 =	vld [tilespmem:$0xE0];
	_ =	sdelay $0x4  }
0xc0: {  	v62 =	vshll.u32 v3, $0x1  }
0xc1: {  	v3 =	vand.u32 $0x7, v3;
	v4 =	vand.u32 $0xFFFFFFF0, v62  }
0xc2: {  	v3 =	vor.u32 v3, v4  }
0xc3: {  	v4 =	vperm.xlane v3, v0;
	_ =	sdelay $0x1  }
0xc4: {  	v3 =	vperm.xlane v3, v2;
	v4 =	vadd.s32 v1, v4;
	_ =	sdelay $0x1  }
0xc5: {  	v3 =	vadd.s32 v1, v3;
	_ =	sdelay $0x2  }
0xc6: {  	[tilespmem:s13], [sflag:$0x2] =	stream.indirect_vreg.gather [hbm4b:s3+s1], $0x80, v4, vm0, $0xb8;
	[tilespmem:$0x10100] =	vst v63  }
0xc7: {  	_ = 	snop  }
0xc8: {  	[tilespmem:s14], [sflag:$0x2] =	stream.indirect_vreg.gather [hbm4b:s3+s1], $0x80, v3, vm0, $0xb8;
	[tilespmem:$0x10100] =	vst v63  }
0xc9: {  	v3 =	vld [tilespmem:$0xF0];
	_ =	sdelay $0x4  }
0xca: {  	v63 =	vshll.u32 v3, $0x1  }
0xcb: {  	v3 =	vand.u32 $0x7, v3;
	v4 =	vand.u32 $0xFFFFFFF0, v63  }
0xcc: {  	v3 =	vor.u32 v3, v4  }
0xcd: {  	v4 =	vperm.xlane v3, v0;
	_ =	sdelay $0x1  }
0xce: {  	v3 =	vperm.xlane v3, v2;
	v4 =	vadd.s32 v1, v4;
	_ =	sdelay $0x1  }
0xcf: {  	v3 =	vadd.s32 v1, v3;
	_ =	sdelay $0x2  }
0xd0: {  	[tilespmem:s15], [sflag:$0x2] =	stream.indirect_vreg.gather [hbm4b:s3+s1], $0x80, v4, vm0, $0xb8;
	[tilespmem:$0x10100] =	vst v63  }
0xd1: {  	_ = 	snop  }
0xd2: {  	[tilespmem:s16], [sflag:$0x2] =	stream.indirect_vreg.gather [hbm4b:s3+s1], $0x80, v3, vm0, $0xb8;
	[tilespmem:$0x10100] =	vst v63  }
0xd3: {  	_ =	swait.ge [sflag:s17], $0x8000  }
0xd4: {  	p0 =	seq.s32 s21, $0xE000;
	[sflag:s17] =	ssyncset.done $0x0  }
.Ltmp4:
0xd5: {  	s22 =	sadd.s32 s21, s6;
	[sflag:s17] =	ssyncadd.s32 $0xFFFF8000;
	(pc) =	sbr.rel @p0 .LBB2_4-.Ltmp4, $4  }
0xd6: {  	[hbm4b:s22+s1] =	stream.linear.scatter [tilespmem:s10], [sflag:$0x3], $0x8000, $0x38;
	[tilespmem:$0x10100] =	vst v63  }
0xd7: {  	_ =	swait.ge [sflag:s9], $0x8000  }
0xd8: {  	[sflag:s9] =	ssyncset.done $0x0  }
0xd9: {  	[sflag:s9] =	ssyncadd.s32 $0xFFFF8000  }
0xda: {  	[tilespmem:s1], [sflag:$0x3] =	stream.linear.gather [hbm4b:s19+s1], $0x80, $0x38;
	[tilespmem:$0x10100] =	vst v63  }
0xdb: {  	_ =	swait.ge [sflag:s9], $0x80  }
0xdc: {  	[sflag:s9] =	ssyncset.done $0x0  }
0xdd: {  	[sflag:s9] =	ssyncadd.s32 $0xFFFFFF80  }
0xde: {  	v3 =	vld [tilespmem:$0x0];
	_ =	sdelay $0x4  }
0xdf: {  	v4 =	vshll.u32 v3, $0x1  }
0xe0: {  	v3 =	vand.u32 $0x7, v3;
	v4 =	vand.u32 $0xFFFFFFF0, v4  }
0xe1: {  	v3 =	vor.u32 v3, v4  }
0xe2: {  	v4 =	vperm.xlane v3, v0;
	_ =	sdelay $0x1  }
0xe3: {  	v3 =	vperm.xlane v3, v2;
	v4 =	vadd.s32 v1, v4;
	_ =	sdelay $0x1  }
0xe4: {  	v3 =	vadd.s32 v1, v3;
	_ =	sdelay $0x2  }
0xe5: {  	[tilespmem:s10], [sflag:$0x1] =	stream.indirect_vreg.gather [hbm4b:s3+s1], $0x80, v4, vm0, $0xb8;
	[tilespmem:$0x10100] =	vst v63  }
0xe6: {  	s23 =	simm.s32 $0x900  }
0xe7: {  	[tilespmem:s23], [sflag:$0x1] =	stream.indirect_vreg.gather [hbm4b:s3+s1], $0x80, v3, vm0, $0xb8;
	[tilespmem:$0x10100] =	vst v63  }
0xe8: {  	v3 =	vld [tilespmem:$0x10];
	_ =	sdelay $0x4  }
0xe9: {  	v57 =	vshll.u32 v3, $0x1  }
0xea: {  	v3 =	vand.u32 $0x7, v3;
	v4 =	vand.u32 $0xFFFFFFF0, v57  }
0xeb: {  	v3 =	vor.u32 v3, v4  }
0xec: {  	v4 =	vperm.xlane v3, v0;
	_ =	sdelay $0x1  }
0xed: {  	v3 =	vperm.xlane v3, v2;
	v4 =	vadd.s32 v1, v4;
	_ =	sdelay $0x1  }
0xee: {  	v3 =	vadd.s32 v1, v3;
	_ =	sdelay $0x1  }
0xef: {  	s23 =	simm.s32 $0x1100  }
0xf0: {  	[tilespmem:s23], [sflag:$0x1] =	stream.indirect_vreg.gather [hbm4b:s3+s1], $0x80, v4, vm0, $0xb8;
	[tilespmem:$0x10100] =	vst v63  }
0xf1: {  	s23 =	simm.s32 $0x1900  }
0xf2: {  	[tilespmem:s23], [sflag:$0x1] =	stream.indirect_vreg.gather [hbm4b:s3+s1], $0x80, v3, vm0, $0xb8;
	[tilespmem:$0x10100] =	vst v63  }
0xf3: {  	v3 =	vld [tilespmem:$0x20];
	_ =	sdelay $0x4  }
0xf4: {  	v58 =	vshll.u32 v3, $0x1  }
0xf5: {  	v3 =	vand.u32 $0x7, v3;
	v4 =	vand.u32 $0xFFFFFFF0, v58  }
0xf6: {  	v3 =	vor.u32 v3, v4  }
0xf7: {  	v4 =	vperm.xlane v3, v0;
	_ =	sdelay $0x1  }
0xf8: {  	v3 =	vperm.xlane v3, v2;
	v4 =	vadd.s32 v1, v4;
	_ =	sdelay $0x1  }
0xf9: {  	v3 =	vadd.s32 v1, v3;
	_ =	sdelay $0x1  }
0xfa: {  	s23 =	simm.s32 $0x2100  }
0xfb: {  	[tilespmem:s23], [sflag:$0x1] =	stream.indirect_vreg.gather [hbm4b:s3+s1], $0x80, v4, vm0, $0xb8;
	[tilespmem:$0x10100] =	vst v63  }
0xfc: {  	s23 =	simm.s32 $0x2900  }
0xfd: {  	[tilespmem:s23], [sflag:$0x1] =	stream.indirect_vreg.gather [hbm4b:s3+s1], $0x80, v3, vm0, $0xb8;
	[tilespmem:$0x10100] =	vst v63  }
0xfe: {  	v3 =	vld [tilespmem:$0x30];
	_ =	sdelay $0x4  }
0xff: {  	v59 =	vshll.u32 v3, $0x1  }
0x100: {  	v3 =	vand.u32 $0x7, v3;
	v4 =	vand.u32 $0xFFFFFFF0, v59  }
0x101: {  	v3 =	vor.u32 v3, v4  }
0x102: {  	v4 =	vperm.xlane v3, v0;
	_ =	sdelay $0x1  }
0x103: {  	v3 =	vperm.xlane v3, v2;
	v4 =	vadd.s32 v1, v4;
	_ =	sdelay $0x1  }
0x104: {  	v3 =	vadd.s32 v1, v3;
	_ =	sdelay $0x1  }
0x105: {  	s23 =	simm.s32 $0x3100  }
0x106: {  	[tilespmem:s23], [sflag:$0x1] =	stream.indirect_vreg.gather [hbm4b:s3+s1], $0x80, v4, vm0, $0xb8;
	[tilespmem:$0x10100] =	vst v63  }
0x107: {  	s23 =	simm.s32 $0x3900  }
0x108: {  	[tilespmem:s23], [sflag:$0x1] =	stream.indirect_vreg.gather [hbm4b:s3+s1], $0x80, v3, vm0, $0xb8;
	[tilespmem:$0x10100] =	vst v63  }
0x109: {  	v3 =	vld [tilespmem:$0x40];
	_ =	sdelay $0x4  }
0x10a: {  	v60 =	vshll.u32 v3, $0x1  }
0x10b: {  	v3 =	vand.u32 $0x7, v3;
	v4 =	vand.u32 $0xFFFFFFF0, v60  }
0x10c: {  	v3 =	vor.u32 v3, v4  }
0x10d: {  	v4 =	vperm.xlane v3, v0;
	_ =	sdelay $0x1  }
0x10e: {  	v3 =	vperm.xlane v3, v2;
	v4 =	vadd.s32 v1, v4;
	_ =	sdelay $0x1  }
0x10f: {  	v3 =	vadd.s32 v1, v3;
	_ =	sdelay $0x1  }
0x110: {  	s23 =	simm.s32 $0x4100  }
0x111: {  	[tilespmem:s23], [sflag:$0x1] =	stream.indirect_vreg.gather [hbm4b:s3+s1], $0x80, v4, vm0, $0xb8;
	[tilespmem:$0x10100] =	vst v63  }
0x112: {  	s23 =	simm.s32 $0x4900  }
0x113: {  	[tilespmem:s23], [sflag:$0x1] =	stream.indirect_vreg.gather [hbm4b:s3+s1], $0x80, v3, vm0, $0xb8;
	[tilespmem:$0x10100] =	vst v63  }
0x114: {  	v3 =	vld [tilespmem:$0x50];
	_ =	sdelay $0x4  }
0x115: {  	v61 =	vshll.u32 v3, $0x1  }
0x116: {  	v3 =	vand.u32 $0x7, v3;
	v4 =	vand.u32 $0xFFFFFFF0, v61  }
0x117: {  	v3 =	vor.u32 v3, v4  }
0x118: {  	v4 =	vperm.xlane v3, v0;
	_ =	sdelay $0x1  }
0x119: {  	v3 =	vperm.xlane v3, v2;
	v4 =	vadd.s32 v1, v4;
	_ =	sdelay $0x1  }
0x11a: {  	v3 =	vadd.s32 v1, v3;
	_ =	sdelay $0x1  }
0x11b: {  	s23 =	simm.s32 $0x5100  }
0x11c: {  	[tilespmem:s23], [sflag:$0x1] =	stream.indirect_vreg.gather [hbm4b:s3+s1], $0x80, v4, vm0, $0xb8;
	[tilespmem:$0x10100] =	vst v63  }
0x11d: {  	s23 =	simm.s32 $0x5900  }
0x11e: {  	[tilespmem:s23], [sflag:$0x1] =	stream.indirect_vreg.gather [hbm4b:s3+s1], $0x80, v3, vm0, $0xb8;
	[tilespmem:$0x10100] =	vst v63  }
0x11f: {  	v3 =	vld [tilespmem:$0x60];
	_ =	sdelay $0x4  }
0x120: {  	v62 =	vshll.u32 v3, $0x1  }
0x121: {  	v3 =	vand.u32 $0x7, v3;
	v4 =	vand.u32 $0xFFFFFFF0, v62  }
0x122: {  	v3 =	vor.u32 v3, v4  }
0x123: {  	v4 =	vperm.xlane v3, v0;
	_ =	sdelay $0x1  }
0x124: {  	v3 =	vperm.xlane v3, v2;
	v4 =	vadd.s32 v1, v4;
	_ =	sdelay $0x1  }
0x125: {  	v3 =	vadd.s32 v1, v3;
	_ =	sdelay $0x1  }
0x126: {  	s23 =	simm.s32 $0x6100  }
0x127: {  	[tilespmem:s23], [sflag:$0x1] =	stream.indirect_vreg.gather [hbm4b:s3+s1], $0x80, v4, vm0, $0xb8;
	[tilespmem:$0x10100] =	vst v63  }
0x128: {  	s23 =	simm.s32 $0x6900  }
0x129: {  	[tilespmem:s23], [sflag:$0x1] =	stream.indirect_vreg.gather [hbm4b:s3+s1], $0x80, v3, vm0, $0xb8;
	[tilespmem:$0x10100] =	vst v63  }
0x12a: {  	v3 =	vld [tilespmem:$0x70];
	_ =	sdelay $0x4  }
0x12b: {  	v63 =	vshll.u32 v3, $0x1  }
0x12c: {  	v3 =	vand.u32 $0x7, v3;
	v4 =	vand.u32 $0xFFFFFFF0, v63  }
0x12d: {  	v3 =	vor.u32 v3, v4  }
0x12e: {  	v4 =	vperm.xlane v3, v0;
	_ =	sdelay $0x1  }
0x12f: {  	v3 =	vperm.xlane v3, v2;
	v4 =	vadd.s32 v1, v4;
	_ =	sdelay $0x1  }
0x130: {  	v3 =	vadd.s32 v1, v3  }
.Ltmp5:
0x131: {  	_ = 	snop;
	(pc) =	sbr.rel .LBB2_4-.Ltmp5, $4  }
0x132: {  	_ = 	snop  }
0x133: {  	[tilespmem:s24], [sflag:$0x1] =	stream.indirect_vreg.gather [hbm4b:s3+s1], $0x80, v4, vm0, $0xb8;
	[tilespmem:$0x10100] =	vst v63  }
0x134: {  	_ = 	snop  }
0x135: {  	[tilespmem:s25], [sflag:$0x1] =	stream.indirect_vreg.gather [hbm4b:s3+s1], $0x80, v3, vm0, $0xb8;
	[tilespmem:$0x10100] =	vst v63  }
.LBB2_6:
0x136: {  	_ =	sfence.sel $0x180000  }
0x137: {  	[bflag:$0x0] =	sbarrier.arrive $0xFFFF  }
0x138: {  	_ =	strace $0x9000004A  }
0x139: {  	s0 =	stileid.u32;
	[bflag:$0x2] =	sbarrier.arrive $0xFFFF  }
0x13a: {  	p0 =	sne.s32 s0, $0x0;
	s0 =	rddreg [dreg:$0x1]  }
0x13b: {  	s0 =	sadd.s32 @!p0 $0x100000, s0  }
0x13c: {  	[sflag:s0] =	ssyncadd.tile.s32 @!p0 $0x1;
	_ =	shalt  }
.Lfunc_end2:
_tile_overlayer_lowered:
.L_overlay_start_2:
0x13d: {  	(tag) =	ssettag $0x2  }
0x13e: {  	s0 =	rddreg [dreg:$0x0];
	s2 =	stileid.u32  }
0x13f: {  	s1 =	rddreg [dreg:$0x1];
	p0 =	sne.s32 s2, $0x0  }
0x140: {  	s3 =	rddreg [dreg:$0x2];
	[bflag:$0x3] =	sbarrier.arrive $0xFFFF;
	s2 =	simm.s32 @!p0 $0x1C03  }
0x141: {  	[timem:s3], [sflag:s2] =	dma.local @!p0 [hbm:s0], s1  }
0x142: {  	s0 =	simm.s32 @!p0 $0x3  }
0x143: {  	_ =	swait.ge @!p0 [sflag:s0], s1  }
0x144: {  	s1 =	ssub.s32 @!p0 $0x0, s1;
	[sflag:s0] =	ssyncset.done @!p0 $0x0  }
0x145: {  	[sflag:s0] =	ssyncadd.s32 @!p0 s1  }
0x146: {  	[bflag:$0x3] =	sbarrier.arrive $0xFFFF  }
0x147: {  	_ =	shalt  }

// kernel: kernel.9.cloned.1.call-start
scs
__scs_entry_jumppad:
0x0: {  	(pc) =	sbr.rel $0x88, $3  }
0x1: {  	(tag) =	ssettag $0x0;
	lr =	simm.s32 $0x1  }
0x2: {  	[smem:$0x3F8F] =	sst lr;
	_ =	strace $0xD0000000  }
0x3: {  	_ = 	snop  }
0x4: {  	_ = 	snop  }
0x5: {  	_ = 	snop  }
0x6: {  	_ = 	snop  }
0x7: {  	_ = 	snop  }
__scs_overlays_trampoline_lowered:
0x8: {  	[smem:$0x3F9E] =	sst s0  }
0x9: {  	[smem:$0x3F9F] =	sst s1  }
0xa: {  	[smem:$0x3FA0] =	sst s2  }
0xb: {  	[smem:$0x3FA1] =	sst s3  }
0xc: {  	[smem:$0x3FA2] =	sst s4  }
0xd: {  	[smem:$0x3FA3] =	sst s5  }
0xe: {  	[smem:$0x3FA4] =	sst s6  }
0xf: {  	[smem:$0x3FA5] =	sst s7  }
0x10: {  	[smem:$0x3FA6] =	sst s8  }
0x11: {  	[smem:$0x3FA7] =	sst s9;
	s0 =	simm.s32 @!p0 $0x0  }
0x12: {  	s1 =	sld [smem:$0x3F8D];
	s0 =	simm.s32 @p0 $0x1  }
0x13: {  	[smem:$0x3FA8] =	sst s0;
	s0 =	simm.s32 @!p1 $0x0  }
0x14: {  	s2 =	sld [smem:$0x3F8C];
	s0 =	simm.s32 @p1 $0x1  }
0x15: {  	[smem:$0x3FA9] =	sst s0;
	s0 =	simm.s32 @!p2 $0x0  }
0x16: {  	s3 =	sld [smem:$0x3FDB];
	s0 =	simm.s32 @p2 $0x1  }
0x17: {  	s4 =	simm.s32 $0x1BF5;
	[smem:$0x3FAB] =	sst s0  }
0x18: {  	s0 =	sld [smem:$0x3F8E];
	_ =	swait.ge [sflag:s4], $0x0  }
0x19: {  	s7 =	sld [smem:$0x3F8F]  }
0x1a: {  	s8 =	sadd.s32 $0xFFFFE003, lr  }
0x1b: {  	s9 =	sadd.s32 $0xFFFFFEF7, lr;
	s5 =	simm.s32 $0xFFFFFFFF;
	p2 =	slt.u32 s8, $0xFFFFF086  }
0x1c: {  	p1 =	slt.u32 s9, $0xF7A;
	s5 =	simm.s32 @!p2 $0x0  }
0x1d: {  	s5 =	simm.s32 @p1 $0x1;
	p0 =	seq.s32 s7, s2  }
0x1e: {  	s7 =	smul.u32 @!p0 $0xF7A, s2;
	p2 =	seq.s32 @!p0 s5, $0x0  }
0x1f: {  	s9 =	smul.u32 $0xF7A, s1;
	s8 =	simm.s32 @!p0 $0x1BF5;
	p2 =	por !p2, p0  }
0x20: {  	[sflag:s8] =	ssyncset.s32 @!p0 $0xFFFFF086;
	s6 =	sadd.s32 @!p0 s3, s7;
	s7 =	simm.s32 @!p0 $0x108  }
0x21: {  	s3 =	sadd.s32 s3, s9;
	s6 =	sadd.s32 @!p0 $0x88, s6;
	s7 =	simm.s32 @p2 $0x1082  }
0x22: {  	[simem:s7], [sflag:s8] =	dma.local @!p0 [hbm:s6], $0xF7A  }
0x23: {  	s9 =	sor.u32 $0xD0000000, s2;
	s6 =	simm.s32 $0x108;
	_ =	swait.ge @!p0 [sflag:s8], $0x0  }
0x24: {  	s3 =	sadd.s32 $0x88, s3;
	s6 =	simm.s32 @!p1 $0x1082;
	[sflag:s4] =	ssyncset.s32 $0xFFFFF086  }
0x25: {  	[simem:s6], [sflag:s4] =	dma.local [hbm:s3], $0xF7A  }
0x26: {  	[smem:$0x3F8F] =	sst s1;
	(tag) =	ssettag s2;
	_ =	strace s9  }
0x27: {  	s1 =	sld [smem:$0x3F9F]  }
0x28: {  	s2 =	sld [smem:$0x3FA0]  }
0x29: {  	s4 =	sld [smem:$0x3FA2]  }
0x2a: {  	p0 =	seq.s32 s5, $0x0;
	s5 =	sld [smem:$0x3FA3]  }
0x2b: {  	s6 =	sld [smem:$0x3FA4]  }
0x2c: {  	s7 =	sld [smem:$0x3FA5]  }
0x2d: {  	s3 =	simm.s32 $0x108;
	s8 =	sld [smem:$0x3FA6]  }
0x2e: {  	s3 =	simm.s32 @!p0 $0x1082;
	s9 =	sld [smem:$0x3FA7]  }
0x2f: {  	lr =	sadd.s32 s0, s3;
	s0 =	sld [smem:$0x3F9E]  }
0x30: {  	s3 =	sld [smem:$0x3FA1]  }
0x31: {  	[smem:$0x3FAA] =	sst s10  }
0x32: {  	s10 =	sld [smem:$0x3FA8];
	_ =	sdelay $0x3  }
0x33: {  	p0 =	seq.s32 s10, $0x1;
	s10 =	sld [smem:$0x3FAA];
	_ =	sdelay $0x3  }
0x34: {  	[smem:$0x3FAA] =	sst s10  }
0x35: {  	s10 =	sld [smem:$0x3FA9];
	_ =	sdelay $0x3  }
0x36: {  	p1 =	seq.s32 s10, $0x1;
	s10 =	sld [smem:$0x3FAA];
	_ =	sdelay $0x3  }
0x37: {  	[smem:$0x3FAA] =	sst s10  }
0x38: {  	s10 =	sld [smem:$0x3FAB]  }
0x39: {  	_ = 	snop;
	(pc) =	sbr.ind lr, $3  }
0x3a: {  	_ = 	snop  }
0x3b: {  	_ = 	snop  }
0x3c: {  	p2 =	seq.s32 s10, $0x1;
	s10 =	sld [smem:$0x3FAA]  }
0x3d: {  	_ =	shalt  }
0x3e: {  	_ =	shalt  }
0x3f: {  	_ =	shalt  }
0x40: {  	_ =	shalt  }
0x41: {  	_ =	shalt  }
0x42: {  	_ =	shalt  }
0x43: {  	_ =	shalt  }
0x44: {  	_ =	shalt  }
0x45: {  	_ =	shalt  }
0x46: {  	_ =	shalt  }
0x47: {  	_ =	shalt  }
0x48: {  	_ =	shalt  }
0x49: {  	_ =	shalt  }
0x4a: {  	_ =	shalt  }
0x4b: {  	_ =	shalt  }
0x4c: {  	_ =	shalt  }
0x4d: {  	_ =	shalt  }
0x4e: {  	_ =	shalt  }
0x4f: {  	_ =	shalt  }
0x50: {  	_ =	shalt  }
0x51: {  	_ =	shalt  }
0x52: {  	_ =	shalt  }
0x53: {  	_ =	shalt  }
0x54: {  	_ =	shalt  }
0x55: {  	_ =	shalt  }
0x56: {  	_ =	shalt  }
0x57: {  	_ =	shalt  }
0x58: {  	_ =	shalt  }
0x59: {  	_ =	shalt  }
0x5a: {  	_ =	shalt  }
0x5b: {  	_ =	shalt  }
0x5c: {  	_ =	shalt  }
0x5d: {  	_ =	shalt  }
0x5e: {  	_ =	shalt  }
0x5f: {  	_ =	shalt  }
0x60: {  	_ =	shalt  }
0x61: {  	_ =	shalt  }
0x62: {  	_ =	shalt  }
0x63: {  	_ =	shalt  }
0x64: {  	_ =	shalt  }
0x65: {  	_ =	shalt  }
0x66: {  	_ =	shalt  }
0x67: {  	_ =	shalt  }
0x68: {  	_ =	shalt  }
0x69: {  	_ =	shalt  }
0x6a: {  	_ =	shalt  }
0x6b: {  	_ =	shalt  }
0x6c: {  	_ =	shalt  }
0x6d: {  	_ =	shalt  }
0x6e: {  	_ =	shalt  }
0x6f: {  	_ =	shalt  }
0x70: {  	_ =	shalt  }
0x71: {  	_ =	shalt  }
0x72: {  	_ =	shalt  }
0x73: {  	_ =	shalt  }
0x74: {  	_ =	shalt  }
0x75: {  	_ =	shalt  }
0x76: {  	_ =	shalt  }
0x77: {  	_ =	shalt  }
0x78: {  	_ =	shalt  }
0x79: {  	_ =	shalt  }
0x7a: {  	_ =	shalt  }
0x7b: {  	_ =	shalt  }
0x7c: {  	_ =	shalt  }
0x7d: {  	_ =	shalt  }
0x7e: {  	_ =	shalt  }
0x7f: {  	_ =	shalt  }
0x80: {  	_ =	shalt  }
0x81: {  	_ =	shalt  }
0x82: {  	_ =	shalt  }
0x83: {  	_ =	shalt  }
0x84: {  	_ =	shalt  }
0x85: {  	_ =	shalt  }
0x86: {  	_ =	shalt  }
0x87: {  	_ =	shalt  }
.Lfunc_end0:
.L_simem_size_0:
called_computation_lowered:
.L_overlay_start_0:
0x88: {  	s2 =	sld [smem:$0x3FD9]  }
0x89: {  	s3 =	sld [smem:$0x3FFE];
	_ =	sdelay $0x1  }
0x8a: {  	s1 =	srdreg.scid  }
0x8b: {  	s0 =	sand.u32 $0x1, s1  }
0x8c: {  	s14 =	sshll.u32 s0, $0xA;
	s2 =	sadd.s32 s3, s2  }
0x8d: {  	s2 =	sadd.s32 s2, s14  }
0x8e: {  	[smem:$0x3FB6] =	sst s2  }
0x8f: {  	_ = 	snop  }
0x90: {  	s2 =	sld [smem:$0x3FD0];
	_ =	sdelay $0x2  }
0x91: {  	s15 =	simm.s32 $0xB;
	s4 =	simm.s32 $0x10  }
0x92: {  	[smem:s4], [sflag:s15] =	dma.local [hbm:s2], $0x1  }
0x93: {  	_ =	swait.eq [sflag:s15], $0x1  }
0x94: {  	[sflag:s15] =	ssyncset.done $0x0  }
0x95: {  	[sflag:s15] =	ssyncadd.s32 $0xFFFFFFFF  }
0x96: {  	s16 =	sld [smem:$0x11];
	(tm) =	ssettm $0x1  }
0x97: {  	s17 =	sld [smem:$0x3FFB];
	_ =	sdelay $0x3  }
0x98: {  	_ =	strace s17  }
0x99: {  	s3 =	sld [smem:$0x3FFC];
	_ =	sdelay $0x3  }
0x9a: {  	_ =	strace s3  }
0x9b: {  	s3 =	sld [smem:$0x3FFD];
	_ =	sdelay $0x3  }
0x9c: {  	_ =	strace s3  }
0x9d: {  	_ =	strace $0x8FFFFFFF  }
0x9e: {  	s18 =	sld [smem:$0x3FDB];
	_ =	sdelay $0x1  }
0x9f: {  	s19 =	simm.s32 $_scs_section_size  }
0xa0: {  	s5 =	simm.s32 $_size__tile_overlayer_lowered;
	s6 =	simm.s32 $_tile_overlayer_lowered  }
0xa1: {  	s22 =	simm.s32 $0x1BFF;
	s21 =	sshll.u32 s6, $0x1;
	s3 =	sadd.s32 s19, s18  }
0xa2: {  	s7 =	simm.s32 $0x0;
	s20 =	sshll.u32 s5, $0x1;
	s5 =	sadd.s32 s21, s3  }
0xa3: {  	[timem:s7], [sflag:s22] =	dma.local [hbm:s5], s20  }
0xa4: {  	_ =	swait.ge [sflag:s22], s20  }
0xa5: {  	s4 =	ssub.s32 $0x0, s20;
	[sflag:s22] =	ssyncset.done $0x0  }
0xa6: {  	[sflag:s22] =	ssyncadd.s32 s4;
	_ =	sdelay $0x1  }
0xa7: {  	s23 =	simm.s32 $0x1B8B  }
0xa8: {  	_ =	swait.ge [sflag:s23], $0x1  }
0xa9: {  	[sflag:s23] =	ssyncset.done $0x0  }
0xaa: {  	s25 =	simm.s32 $0x1B8E;
	s24 =	sld [smem:$0x3FFE];
	[sflag:s23] =	ssyncadd.s32 $0xFFFFFFFF  }
0xab: {  	s26 =	simm.s32 $execute0_lowered;
	[smem:$0x3FD2] =	sst s25  }
0xac: {  	s5 =	sshll.u32 s26, $0x1;
	_ =	strace $0x80000046;
	[dreg:$0x1] =	wrdreg $0xFFFFFFFF  }
0xad: {  	s28 =	simm.s32 $_size_execute0_lowered;
	s3 =	sadd.s32 s3, s5;
	[dreg:$0x0] =	wrdreg $0x0  }
0xae: {  	s5 =	sshll.u32 s28, $0x1;
	[dreg:$0x2] =	wrdreg s3  }
0xaf: {  	[dreg:$0x3] =	wrdreg s5  }
0xb0: {  	[dreg:$0x4] =	wrdreg $0xC0  }
0xb1: {  	_ =	task [dreg:s7], $0x5FFFF  }
0xb2: {  	[dreg:$0x1] =	wrdreg $0xFFFFFFFF  }
0xb3: {  	[dreg:$0x0] =	wrdreg $0x60  }
0xb4: {  	[dreg:$0x2] =	wrdreg s16  }
0xb5: {  	[dreg:$0x3] =	wrdreg s24  }
0xb6: {  	[dreg:$0x4] =	wrdreg $0x9  }
0xb7: {  	_ =	task.clear_ibuf [dreg:s7], $0x5FFFF;
	_ =	strace $0x90000046  }
0xb8: {  	s29 =	simm.s32 $0x9;
	_ =	strace $0x80000048  }
0xb9: {  	_ =	swait.ge [sflag:s29], $0x1  }
0xba: {  	[sflag:s29] =	ssyncadd.s32 $0xFFFFFFFF  }
0xbb: {  	_ =	strace $0x90000048  }
0xbc: {  	_ =	sfence  }
0xbd: {  	s30 =	sld [smem:$0x0];
	_ =	sdelay $0x2  }
0xbe: {  	s31 =	sshll.u32 s1, $0xD;
	s1 =	sshrl.u32 s1, $0x2  }
0xbf: {  	s3 =	sand.u32 $0x4000, s31;
	s1 =	sadd.s32 s1, s30  }
0xc0: {  	s0 =	sor.u32 s3, s0;
	s1 =	sshll.u32 s1, $0x11  }
0xc1: {  	s0 =	sor.u32 s1, s0  }
0xc2: {  	s0 =	sadd.s32 $0x8F2B, s0  }
0xc3: {  	[sflag:s0] =	ssyncadd.remote.s32 $0x1  }
0xc4: {  	_ =	sfence.sel $0xFFFF  }
0xc5: {  	[dreg:$0x0] =	wrdreg $0xFFFFFFFF;
	(pc) =	sbr.abs _section_cstart, $3  }
0xc6: {  	[dreg:$0x1] =	wrdreg $0xFFFFFFFF  }
0xc7: {  	_ =	task.clear_ibuf [dreg:s7], $0x2FFFF;
	_ =	strace $0x9FFFFFFF  }
0xc8: {  	(tm) =	ssettm $0x7FFFFFFF  }
0xc9: {  	_ =	shalt  }
tec
execute0_lowered:
.L_overlay_start_1:
0x0: {  	(tag) =	ssettag $0x1  }
0x1: {  	s1 =	rddreg [dreg:$0x0]  }
0x2: {  	s0 =	rddreg [dreg:$0x1];
	s2 =	simm.s32 $0x0;
	s3 =	srdreg.scid  }
0x3: {  	s8 =	stileid.u32;
	s10 =	simm.s32 $0x100;
	s28 =	simm.s32 $0x8100  }
0x4: {  	s29 =	simm.s32 $0x8900;
	s30 =	simm.s32 $0x9100;
	s31 =	simm.s32 $0x9900  }
0x5: {  	s11 =	simm.s32 $0xD100;
	s12 =	simm.s32 $0xD900;
	s13 =	simm.s32 $0xE100  }
0x6: {  	s14 =	simm.s32 $0xE900;
	s15 =	simm.s32 $0xF100;
	s16 =	simm.s32 $0xF900  }
0x7: {  	s17 =	simm.s32 $0x1;
	s18 =	simm.s32 $0x2;
	s20 =	simm.s32 $0x0  }
0x8: {  	[smem:$0x7FF] =	sst s2;
	s4 =	sadd.s32 $0x4800, s0;
	s3 =	sand.u32 $0x1, s3  }
0x9: {  	s6 =	sshll.u32 s8, $0xC;
	s8 =	sshll.u32 s8, $0x11;
	_ =	strace $0x80000047  }
0xa: {  	s5 =	ssub.s32 $0x2, s3;
	s7 =	sshll.u32 s3, $0xB;
	s0 =	sadd.s32 s8, s0  }
0xb: {  	s3 =	sshll.u32 s3, $0x10;
	s8 =	simm.s32 $0xC900;
	s9 =	sshrl.u32 s5, $0x1  }
0xc: {  	s6 =	sor.u32 s7, s6;
	s0 =	sadd.s32 s3, s0;
	s3 =	simm.s32 $0xA900  }
0xd: {  	s5 =	ssub.s32 s5, s9;
	s7 =	sshrl.u32 s6, $0x3;
	s22 =	sor.u32 $0x80, s6  }
0xe: {  	s23 =	sor.u32 $0x100, s6;
	s6 =	sadd.s32 $0xA6800, s0;
	s9 =	simm.s32 $0x3  }
0xf: {  	s7 =	sadd.s32 s4, s7;
	s5 =	smax.u32 s5, $0x1;
	s24 =	sshrl.u32 s22, $0x3  }
.Ltmp0:
0x10: {  	s25 =	sshrl.u32 s23, $0x3;
	[dreg:$0x3] =	wrdreg s7;
	(pc) =	sbr.rel .LBB2_1-.Ltmp0, $4  }
0x11: {  	[dreg:$0x4] =	wrdreg s5;
	s0 =	sadd.s32 s24, s4;
	s26 =	sadd.s32 s25, s4  }
0x12: {  	v2 =	vlaneseq.u32;
	s24 =	simm.s32 $0x7100;
	s25 =	simm.s32 $0x7900;
	s4 =	simm.s32 $0xB100  }
0x13: {  	vm0 =	vmmov $0xffff;
	v1 =	vshrl.u32 v2, $0x3;
	s5 =	simm.s32 $0xB900;
	s7 =	simm.s32 $0xC100;
	[dreg:$0x5] =	wrdreg s0  }
0x14: {  	v0 =	vand.u32 $0x7, v2;
	v2 =	vor.u32 $0x8, v2;
	v1 =	vmul.u32 $0x8, v1;
	[dreg:$0x6] =	wrdreg s26;
	s26 =	simm.s32 $0x80;
	s0 =	simm.s32 $0xA100  }
.LBB2_5:
0x15: {  	s20 =	rddreg [dreg:$0x7]  }
0x16: {  	s19 =	rddreg [dreg:$0x4];
	s20 =	sadd.s32 $0x1, s20  }
0x17: {  	p0 =	sne.s32 s20, s19  }
.Ltmp1:
0x18: {  	_ = 	snop;
	(pc) =	sbr.rel @!p0 .LBB2_6-.Ltmp1, $1  }
0x19: {  	_ =	sdelay $0x3  }
.LBB2_1:
0x1a: {  	[dreg:$0x7] =	wrdreg s20  }
0x1b: {  	s19 =	rddreg [dreg:$0x3]  }
0x1c: {  	[tilespmem:s2], [sflag:$0x3] =	stream.linear.gather [hbm4b:s19+s2], $0x80, $0x38;
	[tilespmem:$0x10100] =	vst v63  }
0x1d: {  	_ =	swait.ge [sflag:s9], $0x80  }
0x1e: {  	[sflag:s9] =	ssyncset.done $0x0  }
0x1f: {  	[sflag:s9] =	ssyncadd.s32 $0xFFFFFF80  }
0x20: {  	v3 =	vld [tilespmem:$0x0];
	_ =	sdelay $0x4  }
0x21: {  	v4 =	vshll.u32 v3, $0x1  }
0x22: {  	v3 =	vand.u32 $0x7, v3;
	v4 =	vand.u32 $0xFFFFFFF0, v4  }
0x23: {  	v3 =	vor.u32 v3, v4  }
0x24: {  	v4 =	vperm.xlane v3, v0;
	_ =	sdelay $0x1  }
0x25: {  	v3 =	vperm.xlane v3, v2;
	v4 =	vadd.s32 v1, v4;
	_ =	sdelay $0x1  }
0x26: {  	v3 =	vadd.s32 v1, v3;
	_ =	sdelay $0x2  }
0x27: {  	[tilespmem:s10], [sflag:$0x1] =	stream.indirect_vreg.gather [hbm4b:s1+s2], $0x80, v4, vm0, $0xb8;
	[tilespmem:$0x10100] =	vst v63  }
0x28: {  	s23 =	simm.s32 $0x900  }
0x29: {  	[tilespmem:s23], [sflag:$0x1] =	stream.indirect_vreg.gather [hbm4b:s1+s2], $0x80, v3, vm0, $0xb8;
	[tilespmem:$0x10100] =	vst v63  }
0x2a: {  	v3 =	vld [tilespmem:$0x10];
	_ =	sdelay $0x4  }
0x2b: {  	v57 =	vshll.u32 v3, $0x1  }
0x2c: {  	v3 =	vand.u32 $0x7, v3;
	v4 =	vand.u32 $0xFFFFFFF0, v57  }
0x2d: {  	v3 =	vor.u32 v3, v4  }
0x2e: {  	v4 =	vperm.xlane v3, v0;
	_ =	sdelay $0x1  }
0x2f: {  	v3 =	vperm.xlane v3, v2;
	v4 =	vadd.s32 v1, v4;
	_ =	sdelay $0x1  }
0x30: {  	v3 =	vadd.s32 v1, v3;
	_ =	sdelay $0x1  }
0x31: {  	s20 =	simm.s32 $0x1100  }
0x32: {  	[tilespmem:s20], [sflag:$0x1] =	stream.indirect_vreg.gather [hbm4b:s1+s2], $0x80, v4, vm0, $0xb8;
	[tilespmem:$0x10100] =	vst v63  }
0x33: {  	s21 =	simm.s32 $0x1900  }
0x34: {  	[tilespmem:s21], [sflag:$0x1] =	stream.indirect_vreg.gather [hbm4b:s1+s2], $0x80, v3, vm0, $0xb8;
	[tilespmem:$0x10100] =	vst v63  }
0x35: {  	v3 =	vld [tilespmem:$0x20];
	_ =	sdelay $0x4  }
0x36: {  	v58 =	vshll.u32 v3, $0x1  }
0x37: {  	v3 =	vand.u32 $0x7, v3;
	v4 =	vand.u32 $0xFFFFFFF0, v58  }
0x38: {  	v3 =	vor.u32 v3, v4  }
0x39: {  	v4 =	vperm.xlane v3, v0;
	_ =	sdelay $0x1  }
0x3a: {  	v3 =	vperm.xlane v3, v2;
	v4 =	vadd.s32 v1, v4;
	_ =	sdelay $0x1  }
0x3b: {  	v3 =	vadd.s32 v1, v3;
	_ =	sdelay $0x1  }
0x3c: {  	s22 =	simm.s32 $0x2100  }
0x3d: {  	[tilespmem:s22], [sflag:$0x1] =	stream.indirect_vreg.gather [hbm4b:s1+s2], $0x80, v4, vm0, $0xb8;
	[tilespmem:$0x10100] =	vst v63  }
0x3e: {  	s23 =	simm.s32 $0x2900  }
0x3f: {  	[tilespmem:s23], [sflag:$0x1] =	stream.indirect_vreg.gather [hbm4b:s1+s2], $0x80, v3, vm0, $0xb8;
	[tilespmem:$0x10100] =	vst v63  }
0x40: {  	v3 =	vld [tilespmem:$0x30];
	_ =	sdelay $0x4  }
0x41: {  	v59 =	vshll.u32 v3, $0x1  }
0x42: {  	v3 =	vand.u32 $0x7, v3;
	v4 =	vand.u32 $0xFFFFFFF0, v59  }
0x43: {  	v3 =	vor.u32 v3, v4  }
0x44: {  	v4 =	vperm.xlane v3, v0;
	_ =	sdelay $0x1  }
0x45: {  	v3 =	vperm.xlane v3, v2;
	v4 =	vadd.s32 v1, v4;
	_ =	sdelay $0x1  }
0x46: {  	v3 =	vadd.s32 v1, v3;
	_ =	sdelay $0x1  }
0x47: {  	s20 =	simm.s32 $0x3100  }
0x48: {  	[tilespmem:s20], [sflag:$0x1] =	stream.indirect_vreg.gather [hbm4b:s1+s2], $0x80, v4, vm0, $0xb8;
	[tilespmem:$0x10100] =	vst v63  }
0x49: {  	s21 =	simm.s32 $0x3900  }
0x4a: {  	[tilespmem:s21], [sflag:$0x1] =	stream.indirect_vreg.gather [hbm4b:s1+s2], $0x80, v3, vm0, $0xb8;
	[tilespmem:$0x10100] =	vst v63  }
0x4b: {  	v3 =	vld [tilespmem:$0x40];
	_ =	sdelay $0x4  }
0x4c: {  	v60 =	vshll.u32 v3, $0x1  }
0x4d: {  	v3 =	vand.u32 $0x7, v3;
	v4 =	vand.u32 $0xFFFFFFF0, v60  }
0x4e: {  	v3 =	vor.u32 v3, v4  }
0x4f: {  	v4 =	vperm.xlane v3, v0;
	_ =	sdelay $0x1  }
0x50: {  	v3 =	vperm.xlane v3, v2;
	v4 =	vadd.s32 v1, v4;
	_ =	sdelay $0x1  }
0x51: {  	v3 =	vadd.s32 v1, v3;
	_ =	sdelay $0x1  }
0x52: {  	s22 =	simm.s32 $0x4100  }
0x53: {  	[tilespmem:s22], [sflag:$0x1] =	stream.indirect_vreg.gather [hbm4b:s1+s2], $0x80, v4, vm0, $0xb8;
	[tilespmem:$0x10100] =	vst v63  }
0x54: {  	s23 =	simm.s32 $0x4900  }
0x55: {  	[tilespmem:s23], [sflag:$0x1] =	stream.indirect_vreg.gather [hbm4b:s1+s2], $0x80, v3, vm0, $0xb8;
	[tilespmem:$0x10100] =	vst v63  }
0x56: {  	v3 =	vld [tilespmem:$0x50];
	_ =	sdelay $0x4  }
0x57: {  	v61 =	vshll.u32 v3, $0x1  }
0x58: {  	v3 =	vand.u32 $0x7, v3;
	v4 =	vand.u32 $0xFFFFFFF0, v61  }
0x59: {  	v3 =	vor.u32 v3, v4  }
0x5a: {  	v4 =	vperm.xlane v3, v0;
	_ =	sdelay $0x1  }
0x5b: {  	v3 =	vperm.xlane v3, v2;
	v4 =	vadd.s32 v1, v4;
	_ =	sdelay $0x1  }
0x5c: {  	v3 =	vadd.s32 v1, v3;
	_ =	sdelay $0x1  }
0x5d: {  	s20 =	simm.s32 $0x5100  }
0x5e: {  	[tilespmem:s20], [sflag:$0x1] =	stream.indirect_vreg.gather [hbm4b:s1+s2], $0x80, v4, vm0, $0xb8;
	[tilespmem:$0x10100] =	vst v63  }
0x5f: {  	s21 =	simm.s32 $0x5900  }
0x60: {  	[tilespmem:s21], [sflag:$0x1] =	stream.indirect_vreg.gather [hbm4b:s1+s2], $0x80, v3, vm0, $0xb8;
	[tilespmem:$0x10100] =	vst v63  }
0x61: {  	v3 =	vld [tilespmem:$0x60];
	_ =	sdelay $0x4  }
0x62: {  	v62 =	vshll.u32 v3, $0x1  }
0x63: {  	v3 =	vand.u32 $0x7, v3;
	v4 =	vand.u32 $0xFFFFFFF0, v62  }
0x64: {  	v3 =	vor.u32 v3, v4  }
0x65: {  	v4 =	vperm.xlane v3, v0;
	_ =	sdelay $0x1  }
0x66: {  	v3 =	vperm.xlane v3, v2;
	v4 =	vadd.s32 v1, v4;
	_ =	sdelay $0x1  }
0x67: {  	v3 =	vadd.s32 v1, v3;
	_ =	sdelay $0x1  }
0x68: {  	s22 =	simm.s32 $0x6100  }
0x69: {  	[tilespmem:s22], [sflag:$0x1] =	stream.indirect_vreg.gather [hbm4b:s1+s2], $0x80, v4, vm0, $0xb8;
	[tilespmem:$0x10100] =	vst v63  }
0x6a: {  	s23 =	simm.s32 $0x6900  }
0x6b: {  	[tilespmem:s23], [sflag:$0x1] =	stream.indirect_vreg.gather [hbm4b:s1+s2], $0x80, v3, vm0, $0xb8;
	[tilespmem:$0x10100] =	vst v63  }
0x6c: {  	v3 =	vld [tilespmem:$0x70];
	_ =	sdelay $0x4  }
0x6d: {  	v63 =	vshll.u32 v3, $0x1  }
0x6e: {  	v3 =	vand.u32 $0x7, v3;
	v4 =	vand.u32 $0xFFFFFFF0, v63  }
0x6f: {  	v3 =	vor.u32 v3, v4  }
0x70: {  	v4 =	vperm.xlane v3, v0;
	_ =	sdelay $0x1  }
0x71: {  	v3 =	vperm.xlane v3, v2;
	v4 =	vadd.s32 v1, v4;
	_ =	sdelay $0x1  }
0x72: {  	v3 =	vadd.s32 v1, v3  }
.Ltmp2:
0x73: {  	_ = 	snop;
	(pc) =	sbr.rel .LBB2_2-.Ltmp2, $4  }
0x74: {  	s19 =	rddreg [dreg:$0x6]  }
0x75: {  	[tilespmem:s24], [sflag:$0x1] =	stream.indirect_vreg.gather [hbm4b:s1+s2], $0x80, v4, vm0, $0xb8;
	[tilespmem:$0x10100] =	vst v63  }
0x76: {  	s20 =	rddreg [dreg:$0x5];
	s21 =	simm.s32 $0x0  }
0x77: {  	[tilespmem:s25], [sflag:$0x1] =	stream.indirect_vreg.gather [hbm4b:s1+s2], $0x80, v3, vm0, $0xb8;
	[tilespmem:$0x10100] =	vst v63  }
.LBB2_4:
0x78: {  	_ =	swait.ge [sflag:s18], $0x8000;
	s21 =	sadd.s32 $0x2000, s21  }
0x79: {  	[sflag:s18] =	ssyncset.done $0x0;
	p0 =	sne.s32 s21, $0x10000  }
.Ltmp3:
0x7a: {  	s22 =	sadd.s32 $0x1000, s22;
	[sflag:s18] =	ssyncadd.s32 $0xFFFF8000;
	(pc) =	sbr.rel @!p0 .LBB2_5-.Ltmp3, $4  }
0x7b: {  	[hbm4b:s22+s2] =	stream.linear.scatter [tilespmem:s28], [sflag:$0x3], $0x8000, $0x38;
	[tilespmem:$0x10100] =	vst v63  }
0x7c: {  	_ =	swait.ge [sflag:s9], $0x8000  }
0x7d: {  	[sflag:s9] =	ssyncset.done $0x0  }
0x7e: {  	s20 =	sadd.s32 $0x20, s20;
	s19 =	sadd.s32 $0x20, s19;
	[sflag:s9] =	ssyncadd.s32 $0xFFFF8000  }
.LBB2_2:
0x7f: {  	[tilespmem:s26], [sflag:$0x3] =	stream.linear.gather [hbm4b:s20+s2], $0x80, $0x38;
	[tilespmem:$0x10100] =	vst v63  }
0x80: {  	_ =	swait.ge [sflag:s9], $0x80  }
0x81: {  	[sflag:s9] =	ssyncset.done $0x0  }
0x82: {  	[sflag:s9] =	ssyncadd.s32 $0xFFFFFF80  }
0x83: {  	v3 =	vld [tilespmem:$0x80];
	_ =	sdelay $0x4  }
0x84: {  	v4 =	vshll.u32 v3, $0x1  }
0x85: {  	v3 =	vand.u32 $0x7, v3;
	v4 =	vand.u32 $0xFFFFFFF0, v4  }
0x86: {  	v3 =	vor.u32 v3, v4  }
0x87: {  	v4 =	vperm.xlane v3, v0;
	_ =	sdelay $0x1  }
0x88: {  	v3 =	vperm.xlane v3, v2;
	v4 =	vadd.s32 v1, v4;
	_ =	sdelay $0x1  }
0x89: {  	v3 =	vadd.s32 v1, v3;
	_ =	sdelay $0x2  }
0x8a: {  	[tilespmem:s28], [sflag:$0x2] =	stream.indirect_vreg.gather [hbm4b:s1+s2], $0x80, v4, vm0, $0xb8;
	[tilespmem:$0x10100] =	vst v63  }
0x8b: {  	_ = 	snop  }
0x8c: {  	[tilespmem:s29], [sflag:$0x2] =	stream.indirect_vreg.gather [hbm4b:s1+s2], $0x80, v3, vm0, $0xb8;
	[tilespmem:$0x10100] =	vst v63  }
0x8d: {  	v3 =	vld [tilespmem:$0x90];
	_ =	sdelay $0x4  }
0x8e: {  	v57 =	vshll.u32 v3, $0x1  }
0x8f: {  	v3 =	vand.u32 $0x7, v3;
	v4 =	vand.u32 $0xFFFFFFF0, v57  }
0x90: {  	v3 =	vor.u32 v3, v4  }
0x91: {  	v4 =	vperm.xlane v3, v0;
	_ =	sdelay $0x1  }
0x92: {  	v3 =	vperm.xlane v3, v2;
	v4 =	vadd.s32 v1, v4;
	_ =	sdelay $0x1  }
0x93: {  	v3 =	vadd.s32 v1, v3;
	_ =	sdelay $0x2  }
0x94: {  	[tilespmem:s30], [sflag:$0x2] =	stream.indirect_vreg.gather [hbm4b:s1+s2], $0x80, v4, vm0, $0xb8;
	[tilespmem:$0x10100] =	vst v63  }
0x95: {  	_ = 	snop  }
0x96: {  	[tilespmem:s31], [sflag:$0x2] =	stream.indirect_vreg.gather [hbm4b:s1+s2], $0x80, v3, vm0, $0xb8;
	[tilespmem:$0x10100] =	vst v63  }
0x97: {  	v3 =	vld [tilespmem:$0xA0];
	_ =	sdelay $0x4  }
0x98: {  	v58 =	vshll.u32 v3, $0x1  }
0x99: {  	v3 =	vand.u32 $0x7, v3;
	v4 =	vand.u32 $0xFFFFFFF0, v58  }
0x9a: {  	v3 =	vor.u32 v3, v4  }
0x9b: {  	v4 =	vperm.xlane v3, v0;
	_ =	sdelay $0x1  }
0x9c: {  	v3 =	vperm.xlane v3, v2;
	v4 =	vadd.s32 v1, v4;
	_ =	sdelay $0x1  }
0x9d: {  	v3 =	vadd.s32 v1, v3;
	_ =	sdelay $0x2  }
0x9e: {  	[tilespmem:s0], [sflag:$0x2] =	stream.indirect_vreg.gather [hbm4b:s1+s2], $0x80, v4, vm0, $0xb8;
	[tilespmem:$0x10100] =	vst v63  }
0x9f: {  	_ = 	snop  }
0xa0: {  	[tilespmem:s3], [sflag:$0x2] =	stream.indirect_vreg.gather [hbm4b:s1+s2], $0x80, v3, vm0, $0xb8;
	[tilespmem:$0x10100] =	vst v63  }
0xa1: {  	v3 =	vld [tilespmem:$0xB0];
	_ =	sdelay $0x4  }
0xa2: {  	v59 =	vshll.u32 v3, $0x1  }
0xa3: {  	v3 =	vand.u32 $0x7, v3;
	v4 =	vand.u32 $0xFFFFFFF0, v59  }
0xa4: {  	v3 =	vor.u32 v3, v4  }
0xa5: {  	v4 =	vperm.xlane v3, v0;
	_ =	sdelay $0x1  }
0xa6: {  	v3 =	vperm.xlane v3, v2;
	v4 =	vadd.s32 v1, v4;
	_ =	sdelay $0x1  }
0xa7: {  	v3 =	vadd.s32 v1, v3;
	_ =	sdelay $0x2  }
0xa8: {  	[tilespmem:s4], [sflag:$0x2] =	stream.indirect_vreg.gather [hbm4b:s1+s2], $0x80, v4, vm0, $0xb8;
	[tilespmem:$0x10100] =	vst v63  }
0xa9: {  	_ = 	snop  }
0xaa: {  	[tilespmem:s5], [sflag:$0x2] =	stream.indirect_vreg.gather [hbm4b:s1+s2], $0x80, v3, vm0, $0xb8;
	[tilespmem:$0x10100] =	vst v63  }
0xab: {  	v3 =	vld [tilespmem:$0xC0];
	_ =	sdelay $0x4  }
0xac: {  	v60 =	vshll.u32 v3, $0x1  }
0xad: {  	v3 =	vand.u32 $0x7, v3;
	v4 =	vand.u32 $0xFFFFFFF0, v60  }
0xae: {  	v3 =	vor.u32 v3, v4  }
0xaf: {  	v4 =	vperm.xlane v3, v0;
	_ =	sdelay $0x1  }
0xb0: {  	v3 =	vperm.xlane v3, v2;
	v4 =	vadd.s32 v1, v4;
	_ =	sdelay $0x1  }
0xb1: {  	v3 =	vadd.s32 v1, v3;
	_ =	sdelay $0x2  }
0xb2: {  	[tilespmem:s7], [sflag:$0x2] =	stream.indirect_vreg.gather [hbm4b:s1+s2], $0x80, v4, vm0, $0xb8;
	[tilespmem:$0x10100] =	vst v63  }
0xb3: {  	_ = 	snop  }
0xb4: {  	[tilespmem:s8], [sflag:$0x2] =	stream.indirect_vreg.gather [hbm4b:s1+s2], $0x80, v3, vm0, $0xb8;
	[tilespmem:$0x10100] =	vst v63  }
0xb5: {  	v3 =	vld [tilespmem:$0xD0];
	_ =	sdelay $0x4  }
0xb6: {  	v61 =	vshll.u32 v3, $0x1  }
0xb7: {  	v3 =	vand.u32 $0x7, v3;
	v4 =	vand.u32 $0xFFFFFFF0, v61  }
0xb8: {  	v3 =	vor.u32 v3, v4  }
0xb9: {  	v4 =	vperm.xlane v3, v0;
	_ =	sdelay $0x1  }
0xba: {  	v3 =	vperm.xlane v3, v2;
	v4 =	vadd.s32 v1, v4;
	_ =	sdelay $0x1  }
0xbb: {  	v3 =	vadd.s32 v1, v3;
	_ =	sdelay $0x2  }
0xbc: {  	[tilespmem:s11], [sflag:$0x2] =	stream.indirect_vreg.gather [hbm4b:s1+s2], $0x80, v4, vm0, $0xb8;
	[tilespmem:$0x10100] =	vst v63  }
0xbd: {  	_ = 	snop  }
0xbe: {  	[tilespmem:s12], [sflag:$0x2] =	stream.indirect_vreg.gather [hbm4b:s1+s2], $0x80, v3, vm0, $0xb8;
	[tilespmem:$0x10100] =	vst v63  }
0xbf: {  	v3 =	vld [tilespmem:$0xE0];
	_ =	sdelay $0x4  }
0xc0: {  	v62 =	vshll.u32 v3, $0x1  }
0xc1: {  	v3 =	vand.u32 $0x7, v3;
	v4 =	vand.u32 $0xFFFFFFF0, v62  }
0xc2: {  	v3 =	vor.u32 v3, v4  }
0xc3: {  	v4 =	vperm.xlane v3, v0;
	_ =	sdelay $0x1  }
0xc4: {  	v3 =	vperm.xlane v3, v2;
	v4 =	vadd.s32 v1, v4;
	_ =	sdelay $0x1  }
0xc5: {  	v3 =	vadd.s32 v1, v3;
	_ =	sdelay $0x2  }
0xc6: {  	[tilespmem:s13], [sflag:$0x2] =	stream.indirect_vreg.gather [hbm4b:s1+s2], $0x80, v4, vm0, $0xb8;
	[tilespmem:$0x10100] =	vst v63  }
0xc7: {  	_ = 	snop  }
0xc8: {  	[tilespmem:s14], [sflag:$0x2] =	stream.indirect_vreg.gather [hbm4b:s1+s2], $0x80, v3, vm0, $0xb8;
	[tilespmem:$0x10100] =	vst v63  }
0xc9: {  	v3 =	vld [tilespmem:$0xF0];
	_ =	sdelay $0x4  }
0xca: {  	v63 =	vshll.u32 v3, $0x1  }
0xcb: {  	v3 =	vand.u32 $0x7, v3;
	v4 =	vand.u32 $0xFFFFFFF0, v63  }
0xcc: {  	v3 =	vor.u32 v3, v4  }
0xcd: {  	v4 =	vperm.xlane v3, v0;
	_ =	sdelay $0x1  }
0xce: {  	v3 =	vperm.xlane v3, v2;
	v4 =	vadd.s32 v1, v4;
	_ =	sdelay $0x1  }
0xcf: {  	v3 =	vadd.s32 v1, v3;
	_ =	sdelay $0x2  }
0xd0: {  	[tilespmem:s15], [sflag:$0x2] =	stream.indirect_vreg.gather [hbm4b:s1+s2], $0x80, v4, vm0, $0xb8;
	[tilespmem:$0x10100] =	vst v63  }
0xd1: {  	_ = 	snop  }
0xd2: {  	[tilespmem:s16], [sflag:$0x2] =	stream.indirect_vreg.gather [hbm4b:s1+s2], $0x80, v3, vm0, $0xb8;
	[tilespmem:$0x10100] =	vst v63  }
0xd3: {  	_ =	swait.ge [sflag:s17], $0x8000  }
0xd4: {  	p0 =	seq.s32 s21, $0xE000;
	[sflag:s17] =	ssyncset.done $0x0  }
.Ltmp4:
0xd5: {  	s22 =	sadd.s32 s21, s6;
	[sflag:s17] =	ssyncadd.s32 $0xFFFF8000;
	(pc) =	sbr.rel @p0 .LBB2_4-.Ltmp4, $4  }
0xd6: {  	[hbm4b:s22+s2] =	stream.linear.scatter [tilespmem:s10], [sflag:$0x3], $0x8000, $0x38;
	[tilespmem:$0x10100] =	vst v63  }
0xd7: {  	_ =	swait.ge [sflag:s9], $0x8000  }
0xd8: {  	[sflag:s9] =	ssyncset.done $0x0  }
0xd9: {  	[sflag:s9] =	ssyncadd.s32 $0xFFFF8000  }
0xda: {  	[tilespmem:s2], [sflag:$0x3] =	stream.linear.gather [hbm4b:s19+s2], $0x80, $0x38;
	[tilespmem:$0x10100] =	vst v63  }
0xdb: {  	_ =	swait.ge [sflag:s9], $0x80  }
0xdc: {  	[sflag:s9] =	ssyncset.done $0x0  }
0xdd: {  	[sflag:s9] =	ssyncadd.s32 $0xFFFFFF80  }
0xde: {  	v3 =	vld [tilespmem:$0x0];
	_ =	sdelay $0x4  }
0xdf: {  	v4 =	vshll.u32 v3, $0x1  }
0xe0: {  	v3 =	vand.u32 $0x7, v3;
	v4 =	vand.u32 $0xFFFFFFF0, v4  }
0xe1: {  	v3 =	vor.u32 v3, v4  }
0xe2: {  	v4 =	vperm.xlane v3, v0;
	_ =	sdelay $0x1  }
0xe3: {  	v3 =	vperm.xlane v3, v2;
	v4 =	vadd.s32 v1, v4;
	_ =	sdelay $0x1  }
0xe4: {  	v3 =	vadd.s32 v1, v3;
	_ =	sdelay $0x2  }
0xe5: {  	[tilespmem:s10], [sflag:$0x1] =	stream.indirect_vreg.gather [hbm4b:s1+s2], $0x80, v4, vm0, $0xb8;
	[tilespmem:$0x10100] =	vst v63  }
0xe6: {  	s23 =	simm.s32 $0x900  }
0xe7: {  	[tilespmem:s23], [sflag:$0x1] =	stream.indirect_vreg.gather [hbm4b:s1+s2], $0x80, v3, vm0, $0xb8;
	[tilespmem:$0x10100] =	vst v63  }
0xe8: {  	v3 =	vld [tilespmem:$0x10];
	_ =	sdelay $0x4  }
0xe9: {  	v57 =	vshll.u32 v3, $0x1  }
0xea: {  	v3 =	vand.u32 $0x7, v3;
	v4 =	vand.u32 $0xFFFFFFF0, v57  }
0xeb: {  	v3 =	vor.u32 v3, v4  }
0xec: {  	v4 =	vperm.xlane v3, v0;
	_ =	sdelay $0x1  }
0xed: {  	v3 =	vperm.xlane v3, v2;
	v4 =	vadd.s32 v1, v4;
	_ =	sdelay $0x1  }
0xee: {  	v3 =	vadd.s32 v1, v3;
	_ =	sdelay $0x1  }
0xef: {  	s23 =	simm.s32 $0x1100  }
0xf0: {  	[tilespmem:s23], [sflag:$0x1] =	stream.indirect_vreg.gather [hbm4b:s1+s2], $0x80, v4, vm0, $0xb8;
	[tilespmem:$0x10100] =	vst v63  }
0xf1: {  	s23 =	simm.s32 $0x1900  }
0xf2: {  	[tilespmem:s23], [sflag:$0x1] =	stream.indirect_vreg.gather [hbm4b:s1+s2], $0x80, v3, vm0, $0xb8;
	[tilespmem:$0x10100] =	vst v63  }
0xf3: {  	v3 =	vld [tilespmem:$0x20];
	_ =	sdelay $0x4  }
0xf4: {  	v58 =	vshll.u32 v3, $0x1  }
0xf5: {  	v3 =	vand.u32 $0x7, v3;
	v4 =	vand.u32 $0xFFFFFFF0, v58  }
0xf6: {  	v3 =	vor.u32 v3, v4  }
0xf7: {  	v4 =	vperm.xlane v3, v0;
	_ =	sdelay $0x1  }
0xf8: {  	v3 =	vperm.xlane v3, v2;
	v4 =	vadd.s32 v1, v4;
	_ =	sdelay $0x1  }
0xf9: {  	v3 =	vadd.s32 v1, v3;
	_ =	sdelay $0x1  }
0xfa: {  	s23 =	simm.s32 $0x2100  }
0xfb: {  	[tilespmem:s23], [sflag:$0x1] =	stream.indirect_vreg.gather [hbm4b:s1+s2], $0x80, v4, vm0, $0xb8;
	[tilespmem:$0x10100] =	vst v63  }
0xfc: {  	s23 =	simm.s32 $0x2900  }
0xfd: {  	[tilespmem:s23], [sflag:$0x1] =	stream.indirect_vreg.gather [hbm4b:s1+s2], $0x80, v3, vm0, $0xb8;
	[tilespmem:$0x10100] =	vst v63  }
0xfe: {  	v3 =	vld [tilespmem:$0x30];
	_ =	sdelay $0x4  }
0xff: {  	v59 =	vshll.u32 v3, $0x1  }
0x100: {  	v3 =	vand.u32 $0x7, v3;
	v4 =	vand.u32 $0xFFFFFFF0, v59  }
0x101: {  	v3 =	vor.u32 v3, v4  }
0x102: {  	v4 =	vperm.xlane v3, v0;
	_ =	sdelay $0x1  }
0x103: {  	v3 =	vperm.xlane v3, v2;
	v4 =	vadd.s32 v1, v4;
	_ =	sdelay $0x1  }
0x104: {  	v3 =	vadd.s32 v1, v3;
	_ =	sdelay $0x1  }
0x105: {  	s23 =	simm.s32 $0x3100  }
0x106: {  	[tilespmem:s23], [sflag:$0x1] =	stream.indirect_vreg.gather [hbm4b:s1+s2], $0x80, v4, vm0, $0xb8;
	[tilespmem:$0x10100] =	vst v63  }
0x107: {  	s23 =	simm.s32 $0x3900  }
0x108: {  	[tilespmem:s23], [sflag:$0x1] =	stream.indirect_vreg.gather [hbm4b:s1+s2], $0x80, v3, vm0, $0xb8;
	[tilespmem:$0x10100] =	vst v63  }
0x109: {  	v3 =	vld [tilespmem:$0x40];
	_ =	sdelay $0x4  }
0x10a: {  	v60 =	vshll.u32 v3, $0x1  }
0x10b: {  	v3 =	vand.u32 $0x7, v3;
	v4 =	vand.u32 $0xFFFFFFF0, v60  }
0x10c: {  	v3 =	vor.u32 v3, v4  }
0x10d: {  	v4 =	vperm.xlane v3, v0;
	_ =	sdelay $0x1  }
0x10e: {  	v3 =	vperm.xlane v3, v2;
	v4 =	vadd.s32 v1, v4;
	_ =	sdelay $0x1  }
0x10f: {  	v3 =	vadd.s32 v1, v3;
	_ =	sdelay $0x1  }
0x110: {  	s23 =	simm.s32 $0x4100  }
0x111: {  	[tilespmem:s23], [sflag:$0x1] =	stream.indirect_vreg.gather [hbm4b:s1+s2], $0x80, v4, vm0, $0xb8;
	[tilespmem:$0x10100] =	vst v63  }
0x112: {  	s23 =	simm.s32 $0x4900  }
0x113: {  	[tilespmem:s23], [sflag:$0x1] =	stream.indirect_vreg.gather [hbm4b:s1+s2], $0x80, v3, vm0, $0xb8;
	[tilespmem:$0x10100] =	vst v63  }
0x114: {  	v3 =	vld [tilespmem:$0x50];
	_ =	sdelay $0x4  }
0x115: {  	v61 =	vshll.u32 v3, $0x1  }
0x116: {  	v3 =	vand.u32 $0x7, v3;
	v4 =	vand.u32 $0xFFFFFFF0, v61  }
0x117: {  	v3 =	vor.u32 v3, v4  }
0x118: {  	v4 =	vperm.xlane v3, v0;
	_ =	sdelay $0x1  }
0x119: {  	v3 =	vperm.xlane v3, v2;
	v4 =	vadd.s32 v1, v4;
	_ =	sdelay $0x1  }
0x11a: {  	v3 =	vadd.s32 v1, v3;
	_ =	sdelay $0x1  }
0x11b: {  	s23 =	simm.s32 $0x5100  }
0x11c: {  	[tilespmem:s23], [sflag:$0x1] =	stream.indirect_vreg.gather [hbm4b:s1+s2], $0x80, v4, vm0, $0xb8;
	[tilespmem:$0x10100] =	vst v63  }
0x11d: {  	s23 =	simm.s32 $0x5900  }
0x11e: {  	[tilespmem:s23], [sflag:$0x1] =	stream.indirect_vreg.gather [hbm4b:s1+s2], $0x80, v3, vm0, $0xb8;
	[tilespmem:$0x10100] =	vst v63  }
0x11f: {  	v3 =	vld [tilespmem:$0x60];
	_ =	sdelay $0x4  }
0x120: {  	v62 =	vshll.u32 v3, $0x1  }
0x121: {  	v3 =	vand.u32 $0x7, v3;
	v4 =	vand.u32 $0xFFFFFFF0, v62  }
0x122: {  	v3 =	vor.u32 v3, v4  }
0x123: {  	v4 =	vperm.xlane v3, v0;
	_ =	sdelay $0x1  }
0x124: {  	v3 =	vperm.xlane v3, v2;
	v4 =	vadd.s32 v1, v4;
	_ =	sdelay $0x1  }
0x125: {  	v3 =	vadd.s32 v1, v3;
	_ =	sdelay $0x1  }
0x126: {  	s23 =	simm.s32 $0x6100  }
0x127: {  	[tilespmem:s23], [sflag:$0x1] =	stream.indirect_vreg.gather [hbm4b:s1+s2], $0x80, v4, vm0, $0xb8;
	[tilespmem:$0x10100] =	vst v63  }
0x128: {  	s23 =	simm.s32 $0x6900  }
0x129: {  	[tilespmem:s23], [sflag:$0x1] =	stream.indirect_vreg.gather [hbm4b:s1+s2], $0x80, v3, vm0, $0xb8;
	[tilespmem:$0x10100] =	vst v63  }
0x12a: {  	v3 =	vld [tilespmem:$0x70];
	_ =	sdelay $0x4  }
0x12b: {  	v63 =	vshll.u32 v3, $0x1  }
0x12c: {  	v3 =	vand.u32 $0x7, v3;
	v4 =	vand.u32 $0xFFFFFFF0, v63  }
0x12d: {  	v3 =	vor.u32 v3, v4  }
0x12e: {  	v4 =	vperm.xlane v3, v0;
	_ =	sdelay $0x1  }
0x12f: {  	v3 =	vperm.xlane v3, v2;
	v4 =	vadd.s32 v1, v4;
	_ =	sdelay $0x1  }
0x130: {  	v3 =	vadd.s32 v1, v3  }
.Ltmp5:
0x131: {  	_ = 	snop;
	(pc) =	sbr.rel .LBB2_4-.Ltmp5, $4  }
0x132: {  	_ = 	snop  }
0x133: {  	[tilespmem:s24], [sflag:$0x1] =	stream.indirect_vreg.gather [hbm4b:s1+s2], $0x80, v4, vm0, $0xb8;
	[tilespmem:$0x10100] =	vst v63  }
0x134: {  	_ = 	snop  }
0x135: {  	[tilespmem:s25], [sflag:$0x1] =	stream.indirect_vreg.gather [hbm4b:s1+s2], $0x80, v3, vm0, $0xb8;
	[tilespmem:$0x10100] =	vst v63  }
.LBB2_6:
0x136: {  	_ =	sfence.sel $0x180000  }
0x137: {  	[bflag:$0x0] =	sbarrier.arrive $0xFFFF  }
0x138: {  	_ =	strace $0x90000047  }
0x139: {  	s0 =	stileid.u32;
	[bflag:$0x2] =	sbarrier.arrive $0xFFFF  }
0x13a: {  	p0 =	sne.s32 s0, $0x0;
	s0 =	rddreg [dreg:$0x2]  }
0x13b: {  	s0 =	sadd.s32 @!p0 $0x100000, s0  }
0x13c: {  	[sflag:s0] =	ssyncadd.tile.s32 @!p0 $0x1;
	_ =	shalt  }
.Lfunc_end2:
_tile_overlayer_lowered:
.L_overlay_start_2:
0x13d: {  	(tag) =	ssettag $0x2  }
0x13e: {  	s0 =	rddreg [dreg:$0x0];
	s2 =	stileid.u32  }
0x13f: {  	s1 =	rddreg [dreg:$0x1];
	p0 =	sne.s32 s2, $0x0  }
0x140: {  	s3 =	rddreg [dreg:$0x2];
	[bflag:$0x3] =	sbarrier.arrive $0xFFFF;
	s2 =	simm.s32 @!p0 $0x1C03  }
0x141: {  	[timem:s3], [sflag:s2] =	dma.local @!p0 [hbm:s0], s1  }
0x142: {  	s0 =	simm.s32 @!p0 $0x3  }
0x143: {  	_ =	swait.ge @!p0 [sflag:s0], s1  }
0x144: {  	s1 =	ssub.s32 @!p0 $0x0, s1;
	[sflag:s0] =	ssyncset.done @!p0 $0x0  }
0x145: {  	[sflag:s0] =	ssyncadd.s32 @!p0 s1  }
0x146: {  	[bflag:$0x3] =	sbarrier.arrive $0xFFFF  }
0x147: {  	_ =	shalt  }

</sc_bundles>
